<compile_context>
chip_gen: v7x
topology: tpu7x:2x2x1
jax: 0.10.2.dev20260603
libtpu: 0.0.44.dev20260713+nightly
codegen_flags: <defaults>
</compile_context>

<pallas_src>
import functools
import math

import jax
import jax.numpy as jnp
from jax import lax
from jax.experimental import pallas as pl
from jax.experimental.pallas import tpu as pltpu
from jax.experimental.pallas import tpu_sc as plsc

N = 10000
E = 320000
D = 128
H = 128
G = 64
HD8 = H // 8
C = 2

NC = 2
NS = 16
NW = NC * NS
CH = 100
EPW = E // NW
NCH = EPW // CH
RPT = N // NS

_LEAKY = 0.2
_BN_SCALE = 1.0 / math.sqrt(1.0 + 1e-5)


def _leaky(v):
    return jnp.where(v > 0, v, _LEAKY * v)


@functools.lru_cache(maxsize=None)
def _make_sc_scatter(W):
    mesh = plsc.VectorSubcoreMesh(
        core_axis_name="c", subcore_axis_name="s", num_cores=NC, num_subcores=NS
    )

    @functools.partial(
        pl.kernel,
        out_type=jax.ShapeDtypeStruct((NC, N, W), jnp.float32),
        mesh=mesh,
        scratch_types=[
            pltpu.VMEM((2, CH), jnp.int32),
            pltpu.VMEM((NCH, CH), jnp.int32),
            pltpu.VMEM((2, CH, W), jnp.float32),
            pltpu.VMEM_SHARED((N, W), jnp.float32),
            [pltpu.SemaphoreType.DMA] * 2,
            [pltpu.SemaphoreType.DMA] * 2,
            [pltpu.SemaphoreType.DMA] * 2,
        ],
        compiler_params=pltpu.CompilerParams(use_tc_tiling_on_sc=False),
    )
    def sc_pass(table_hbm, src_hbm, dst_hbm, zeros_hbm, out_hbm,
                sidx, didx, rbuf, acc_sh, isems, gsems, ssems):
        c = lax.axis_index("c")
        s = lax.axis_index("s")
        w = c * NS + s

        def idx_copy(j, p):
            pltpu.async_copy(src_hbm.at[w, j], sidx.at[p], isems[p])

        def idx_wait(j, p):
            pltpu.make_async_copy(src_hbm.at[w, j], sidx.at[p],
                                  isems[p]).wait()

        def gather(p):
            pltpu.async_copy(table_hbm.at[sidx.at[p]], rbuf.at[p], gsems[p])

        def gather_wait(p):
            pltpu.make_async_copy(table_hbm.at[sidx.at[p]], rbuf.at[p],
                                  gsems[p]).wait()

        def scatter(j, p):
            pltpu.async_copy(rbuf.at[p], acc_sh.at[didx.at[j]], ssems[p],
                             add=True)

        def scatter_wait(j, p):
            pltpu.make_async_copy(rbuf.at[p], acc_sh.at[didx.at[j]],
                                  ssems[p]).wait()

        pltpu.sync_copy(zeros_hbm.at[pl.ds(s * RPT, RPT)],
                        acc_sh.at[pl.ds(s * RPT, RPT)])
        pltpu.sync_copy(dst_hbm.at[w], didx)
        idx_copy(0, 0)
        idx_copy(1, 1)
        idx_wait(0, 0)
        gather(0)
        plsc.subcore_barrier()

        def pair_body(i, carry):
            for p in range(2):
                j = 2 * i + p
                gather_wait(p)
                scatter(j, p)

                @pl.when(j + 2 < NCH)
                def _():
                    idx_copy(j + 2, p)

                @pl.when(j >= 1)
                def _():
                    scatter_wait(j - 1, 1 - p)

                @pl.when(j + 1 < NCH)
                def _():
                    idx_wait(j + 1, 1 - p)
                    gather(1 - p)
            return carry

        lax.fori_loop(0, NCH // 2, pair_body, 0)
        scatter_wait(NCH - 1, 1)
        plsc.subcore_barrier()

        pltpu.sync_copy(acc_sh.at[pl.ds(s * RPT, RPT)],
                        out_hbm.at[c, pl.ds(s * RPT, RPT)])

    return sc_pass


_B1 = 1000
_G1 = N // _B1


def _tc1_body(x_ref, p_ref, wl_ref, wr_ref, b_ref, h_ref, rdeg_ref):
    agg = p_ref[0] + p_ref[1]
    deg = agg[:, D:D + 1]
    rdeg = 1.0 / jnp.maximum(deg, 1.0)
    mean = agg[:, :D] * rdeg
    acc = lax.dot_general(mean, wl_ref[...], (((1,), (1,)), ((), ())),
                          preferred_element_type=jnp.float32)
    acc += lax.dot_general(x_ref[...], wr_ref[...], (((1,), (1,)), ((), ())),
                           preferred_element_type=jnp.float32)
    h_ref[...] = _leaky(acc + b_ref[...])
    rdeg_ref[...] = rdeg


def _tc1(x, p, wl, wr, b):
    return pl.pallas_call(
        _tc1_body,
        grid=(_G1,),
        in_specs=[
            pl.BlockSpec((_B1, D), lambda i: (i, 0)),
            pl.BlockSpec((NC, _B1, 144), lambda i: (0, i, 0)),
            pl.BlockSpec((H, D), lambda i: (0, 0)),
            pl.BlockSpec((H, D), lambda i: (0, 0)),
            pl.BlockSpec((1, H), lambda i: (0, 0)),
        ],
        out_specs=[
            pl.BlockSpec((_B1, H), lambda i: (i, 0)),
            pl.BlockSpec((_B1, 1), lambda i: (i, 0)),
        ],
        out_shape=[
            jax.ShapeDtypeStruct((N, H), jnp.float32),
            jax.ShapeDtypeStruct((N, 1), jnp.float32),
        ],
    )(x, p, wl, wr, b)


def _tc2_body(h_ref, p_ref, rdeg_ref, batch_ref, large_ref,
              wl_ref, wr_ref, b_ref, w1_ref, b1_ref, g_ref, be_ref,
              w2_ref, b2_ref, out_ref, pool_ref, cnt_ref):
    step = pl.program_id(0)
    hb = h_ref[...]
    mean2 = (p_ref[0] + p_ref[1]) * rdeg_ref[...]
    acc = lax.dot_general(mean2, wl_ref[...], (((1,), (1,)), ((), ())),
                          preferred_element_type=jnp.float32)
    acc += lax.dot_general(hb, wr_ref[...], (((1,), (1,)), ((), ())),
                           preferred_element_type=jnp.float32)
    h2 = _leaky(acc + b_ref[...])

    iota = lax.broadcasted_iota(jnp.int32, (_B1, G), 1)
    m = (batch_ref[...] == iota).astype(jnp.float32)
    is_large = lax.dot_general(m, large_ref[...], (((1,), (1,)), ((), ())),
                               preferred_element_type=jnp.float32,
                               precision=lax.Precision.HIGHEST)
    hf = is_large * h2 + (1.0 - is_large) * hb

    ps = lax.dot_general(m, hf, (((0,), (0,)), ((), ())),
                         preferred_element_type=jnp.float32,
                         precision=lax.Precision.HIGHEST)
    cs = lax.dot_general(m, jnp.ones_like(hf), (((0,), (0,)), ((), ())),
                         preferred_element_type=jnp.float32,
                         precision=lax.Precision.HIGHEST)

    @pl.when(step == 0)
    def _():
        pool_ref[...] = jnp.zeros_like(pool_ref)
        cnt_ref[...] = jnp.zeros_like(cnt_ref)

    pool_ref[...] += ps
    cnt_ref[...] += cs

    @pl.when(step == _G1 - 1)
    def _():
        pooled = pool_ref[...] / jnp.maximum(cnt_ref[...], 1.0)
        z = lax.dot_general(pooled, w1_ref[...], (((1,), (1,)), ((), ())),
                            preferred_element_type=jnp.float32) + b1_ref[...]
        z = z * _BN_SCALE * g_ref[...] + be_ref[...]
        z = _leaky(z)
        out_ref[...] = lax.dot_general(z, w2_ref[...], (((1,), (1,)), ((), ())),
                                       preferred_element_type=jnp.float32) + b2_ref[...]


def _tc2(h, p, rdeg, batch2d, large, wl, wr, b, w1, b1, g, be, w2, b2):
    return pl.pallas_call(
        _tc2_body,
        grid=(_G1,),
        in_specs=[
            pl.BlockSpec((_B1, H), lambda i: (i, 0)),
            pl.BlockSpec((NC, _B1, H), lambda i: (0, i, 0)),
            pl.BlockSpec((_B1, 1), lambda i: (i, 0)),
            pl.BlockSpec((_B1, 1), lambda i: (i, 0)),
            pl.BlockSpec((1, G), lambda i: (0, 0)),
            pl.BlockSpec((H, H), lambda i: (0, 0)),
            pl.BlockSpec((H, H), lambda i: (0, 0)),
            pl.BlockSpec((1, H), lambda i: (0, 0)),
            pl.BlockSpec((HD8, H), lambda i: (0, 0)),
            pl.BlockSpec((1, HD8), lambda i: (0, 0)),
            pl.BlockSpec((1, HD8), lambda i: (0, 0)),
            pl.BlockSpec((1, HD8), lambda i: (0, 0)),
            pl.BlockSpec((C, HD8), lambda i: (0, 0)),
            pl.BlockSpec((1, C), lambda i: (0, 0)),
        ],
        out_specs=pl.BlockSpec((G, C), lambda i: (0, 0)),
        out_shape=jax.ShapeDtypeStruct((G, C), jnp.float32),
        scratch_shapes=[
            pltpu.VMEM((G, H), jnp.float32),
            pltpu.VMEM((G, H), jnp.float32),
        ],
    )(h, p, rdeg, batch2d, large, wl, wr, b, w1, b1, g, be, w2, b2)


def kernel(x, edge_index, batch, ptr, Wl1, Wr1, b1, Wl2, Wr2, b2,
           W_lin1, b_lin1, gamma, beta, W_lin2, b_lin2):
    src2d = edge_index[0].reshape(NW, NCH, CH)
    dst2d = edge_index[1].reshape(NW, NCH, CH)

    xpad = jnp.concatenate(
        [x, jnp.ones((N, 1), jnp.float32), jnp.zeros((N, 15), jnp.float32)],
        axis=1)
    z144 = jnp.zeros((N, 144), jnp.float32)
    z128 = jnp.zeros((N, H), jnp.float32)

    part1 = _make_sc_scatter(144)(xpad, src2d, dst2d, z144)
    h, rdeg = _tc1(x, part1, Wl1, Wr1, b1.reshape(1, H))

    part2 = _make_sc_scatter(128)(h, src2d, dst2d, z128)

    large = (ptr[1:] - ptr[:-1] >= 40).astype(jnp.float32).reshape(1, G)
    return _tc2(h, part2, rdeg, batch.reshape(N, 1),
                large, Wl2, Wr2, b2.reshape(1, H),
                W_lin1, b_lin1.reshape(1, HD8),
                gamma.reshape(1, HD8), beta.reshape(1, HD8),
                W_lin2, b_lin2.reshape(1, C))

# --- scband reference (transcript-rebuilt; emitter-appended) ---
"""Pipeline reference for scband-amalgamated-gnn-27599459844332 (READ-ONLY COPY).

The authoritative reference and input builder live on the scoring server;
editing this copy changes nothing except your own understanding.
"""

import jax, jax.numpy as jnp
import numpy as np

N = 10000
E = 320000
D = 128
H = 128
G = 64
C = 2
HD8 = H // 8


def _leaky(v):
    return jnp.where(v > 0, v, 0.2 * v)


def setup_inputs(seed: int = 0):
    key = jax.random.key(seed)
    ks = jax.random.split(key, 16)
    x = jax.random.normal(ks[0], (N, D), dtype=jnp.float32)
    edge_index = jax.random.randint(ks[1], (2, E), 0, N, dtype=jnp.int32)
    batch = jnp.sort(jax.random.randint(ks[2], (N,), 0, G, dtype=jnp.int32))
    counts = jnp.bincount(batch, length=G)
    ptr = jnp.concatenate([jnp.zeros((1,), jnp.int32), jnp.cumsum(counts).astype(jnp.int32)])
    s = 0.05
    Wl1 = jax.random.normal(ks[3], (H, D), jnp.float32) * s
    Wr1 = jax.random.normal(ks[4], (H, D), jnp.float32) * s
    b1 = jnp.zeros((H,), jnp.float32)
    Wl2 = jax.random.normal(ks[5], (H, H), jnp.float32) * s
    Wr2 = jax.random.normal(ks[6], (H, H), jnp.float32) * s
    b2 = jnp.zeros((H,), jnp.float32)
    W_lin1 = jax.random.normal(ks[7], (HD8, H), jnp.float32) * s
    b_lin1 = jnp.zeros((HD8,), jnp.float32)
    gamma = jnp.ones((HD8,), jnp.float32)
    beta = jnp.zeros((HD8,), jnp.float32)
    W_lin2 = jax.random.normal(ks[8], (C, HD8), jnp.float32) * s
    b_lin2 = jnp.zeros((C,), jnp.float32)
    return {"x": x, "edge_index": edge_index, "batch": batch, "ptr": ptr,
            "Wl1": Wl1, "Wr1": Wr1, "b1": b1,
            "Wl2": Wl2, "Wr2": Wr2, "b2": b2,
            "W_lin1": W_lin1, "b_lin1": b_lin1,
            "gamma": gamma, "beta": beta,
            "W_lin2": W_lin2, "b_lin2": b_lin2}


def _sage(h, src, dst, Wl, Wr, b):
    # SAGEConv with mean aggregation: out = Wl @ mean_neigh + Wr @ x + b
    msg = jnp.take(h, src, axis=0)
    agg = jax.ops.segment_sum(msg, dst, num_segments=N)
    deg = jax.ops.segment_sum(jnp.ones((src.shape[0],), jnp.float32), dst, num_segments=N)
    mean = agg / jnp.maximum(deg, 1.0)[:, None]
    return mean @ Wl.T + h @ Wr.T + b


def reference(x, edge_index, batch, ptr, Wl1, Wr1, b1, Wl2, Wr2, b2, W_lin1, b_lin1, gamma, beta, W_lin2, b_lin2):
    # eval mode: dropout_adj and F.dropout are no-ops; BatchNorm uses running stats (0 mean, 1 var)
    src = edge_index[0]
    dst = edge_index[1]
    h = _leaky(_sage(x, src, dst, Wl1, Wr1, b1))
    graph_sizes = ptr[1:] - ptr[:-1]
    large = graph_sizes >= 40
    h2 = _leaky(_sage(h, src, dst, Wl2, Wr2, b2))
    node_is_large = jnp.take(large, batch)
    h = jnp.where(node_is_large[:, None], h2, h)
    # global_mean_pool
    summed = jax.ops.segment_sum(h, batch, num_segments=G)
    cnt = jax.ops.segment_sum(jnp.ones((N,), jnp.float32), batch, num_segments=G)
    pooled = summed / jnp.maximum(cnt, 1.0)[:, None]
    z = pooled @ W_lin1.T + b_lin1
    z = (z / jnp.sqrt(1.0 + 1e-5)) * gamma + beta
    z = _leaky(z)
    out = z @ W_lin2.T + b_lin2
    return out

if __name__ == "__main__":
    import jax
    _d = setup_inputs()
    print(jax.jit(kernel)(*tuple(_d.values())))

</pallas_src>

<mosaic_0001>
#map = affine_map<(d0, d1) -> (0, 0)>
#map1 = affine_map<(d0, d1) -> (0, 0, 0)>
module attributes {stable_mosaic.version = 14 : i64} {
  func.func @sc_pass(%arg0: i32, %arg1: i32, %arg2: memref<10000x144xf32, #tpu.memory_space<hbm>>, %arg3: memref<32x100x100xi32, #tpu.memory_space<hbm>>, %arg4: memref<32x100x100xi32, #tpu.memory_space<hbm>>, %arg5: memref<10000x144xf32, #tpu.memory_space<hbm>>, %arg6: memref<2x10000x144xf32, #tpu.memory_space<hbm>>, %arg7: memref<2x100xi32, #tpu.memory_space<vmem>>, %arg8: memref<100x100xi32, #tpu.memory_space<vmem>>, %arg9: memref<2x100x144xf32, #tpu.memory_space<vmem>>, %arg10: memref<10000x144xf32, #tpu.memory_space<vmem_shared>>, %arg11: memref<!tpu.dma_semaphore, #tpu.memory_space<semaphore_mem>>, %arg12: memref<!tpu.dma_semaphore, #tpu.memory_space<semaphore_mem>>, %arg13: memref<!tpu.dma_semaphore, #tpu.memory_space<semaphore_mem>>, %arg14: memref<!tpu.dma_semaphore, #tpu.memory_space<semaphore_mem>>, %arg15: memref<!tpu.dma_semaphore, #tpu.memory_space<semaphore_mem>>, %arg16: memref<!tpu.dma_semaphore, #tpu.memory_space<semaphore_mem>>) attributes {dimension_semantics = [#tpu.dimension_semantics<core_parallel>, #tpu.dimension_semantics<subcore_parallel>], iteration_bounds = array<i64: 2, 16>, scalar_prefetch = 0 : i64, scratch_operands = 10 : i64, tpu.core_type = #tpu.core_type<sc_vector_subcore>, window_params = [{transform_indices = #map}, {transform_indices = #map1}, {transform_indices = #map1}, {transform_indices = #map}, {transform_indices = #map1}]} {
    %mul3A = arith.constant 16 : i32
    %mul3A_0 = arith.muli %arg0, %mul3A : i32
    %add3A = arith.addi %mul3A_0, %arg1 : i32
    %mul3A_1 = arith.constant 625 : i32
    %mul3A_2 = arith.muli %arg1, %mul3A_1 : i32
    %mul3A_3 = arith.constant 625 : i32
    %mul3A_4 = arith.muli %arg1, %mul3A_3 : i32
    "tpu.region"() ({
      %run_scoped3A = tpu.sem_alloc : memref<!tpu.dma_semaphore, #tpu.memory_space<semaphore_mem>>
      %dma_start3A_79 = arith.constant 0 : i32
      %dma_start3A_80 = tpu.memref_slice %arg10[%mul3A_4, %dma_start3A_79] : memref<10000x144xf32, #tpu.memory_space<vmem_shared>> -> memref<625x144xf32, #tpu.memory_space<vmem_shared>>
      %dma_start3A_81 = arith.constant 0 : i32
      %dma_start3A_82 = tpu.memref_slice %arg5[%mul3A_2, %dma_start3A_81] : memref<10000x144xf32, #tpu.memory_space<hbm>> -> memref<625x144xf32, #tpu.memory_space<hbm>>
      tpu.enqueue_dma source(%dma_start3A_82 : memref<625x144xf32, #tpu.memory_space<hbm>>) target(%dma_start3A_80 : memref<625x144xf32, #tpu.memory_space<vmem_shared>>) target_semaphore(%run_scoped3A : memref<!tpu.dma_semaphore, #tpu.memory_space<semaphore_mem>>)
      %dma_wait3A_83 = arith.constant 0 : i32
      %dma_wait3A_84 = tpu.memref_slice %arg10[%mul3A_4, %dma_wait3A_83] : memref<10000x144xf32, #tpu.memory_space<vmem_shared>> -> memref<625x144xf32, #tpu.memory_space<vmem_shared>>
      %dma_wait3A_85 = arith.constant 0 : i32
      %dma_wait3A_86 = tpu.memref_slice %arg5[%mul3A_2, %dma_wait3A_85] : memref<10000x144xf32, #tpu.memory_space<hbm>> -> memref<625x144xf32, #tpu.memory_space<hbm>>
      tpu.wait_dma2 semaphore(%run_scoped3A : memref<!tpu.dma_semaphore, #tpu.memory_space<semaphore_mem>>) src(%dma_wait3A_86 : memref<625x144xf32, #tpu.memory_space<hbm>>) dst(%dma_wait3A_84 : memref<625x144xf32, #tpu.memory_space<vmem_shared>>)
      tpu.yield
    }) : () -> ()
    "tpu.region"() ({
      %run_scoped3A = tpu.sem_alloc : memref<!tpu.dma_semaphore, #tpu.memory_space<semaphore_mem>>
      %dma_start3A_79 = arith.constant 0 : i32
      %dma_start3A_80 = arith.constant 0 : i32
      %dma_start3A_81 = tpu.memref_slice %arg4[%add3A, %dma_start3A_79, %dma_start3A_80] : memref<32x100x100xi32, #tpu.memory_space<hbm>> -> memref<1x100x100xi32, #tpu.memory_space<hbm>>
      %dma_start3A_82 = tpu.memref_squeeze %dma_start3A_81 : memref<1x100x100xi32, #tpu.memory_space<hbm>> -> memref<100x100xi32, #tpu.memory_space<hbm>>
      %dma_start3A_83 = arith.constant 0 : i32
      %dma_start3A_84 = arith.constant 0 : i32
      %dma_start3A_85 = tpu.memref_slice %arg4[%add3A, %dma_start3A_83, %dma_start3A_84] : memref<32x100x100xi32, #tpu.memory_space<hbm>> -> memref<1x100x100xi32, #tpu.memory_space<hbm>>
      %dma_start3A_86 = tpu.memref_squeeze %dma_start3A_85 : memref<1x100x100xi32, #tpu.memory_space<hbm>> -> memref<100x100xi32, #tpu.memory_space<hbm>>
      tpu.enqueue_dma source(%dma_start3A_86 : memref<100x100xi32, #tpu.memory_space<hbm>>) target(%arg8 : memref<100x100xi32, #tpu.memory_space<vmem>>) target_semaphore(%run_scoped3A : memref<!tpu.dma_semaphore, #tpu.memory_space<semaphore_mem>>)
      %dma_wait3A_87 = arith.constant 0 : i32
      %dma_wait3A_88 = arith.constant 0 : i32
      %dma_wait3A_89 = tpu.memref_slice %arg4[%add3A, %dma_wait3A_87, %dma_wait3A_88] : memref<32x100x100xi32, #tpu.memory_space<hbm>> -> memref<1x100x100xi32, #tpu.memory_space<hbm>>
      %dma_wait3A_90 = tpu.memref_squeeze %dma_wait3A_89 : memref<1x100x100xi32, #tpu.memory_space<hbm>> -> memref<100x100xi32, #tpu.memory_space<hbm>>
      %dma_wait3A_91 = arith.constant 0 : i32
      %dma_wait3A_92 = arith.constant 0 : i32
      %dma_wait3A_93 = tpu.memref_slice %arg4[%add3A, %dma_wait3A_91, %dma_wait3A_92] : memref<32x100x100xi32, #tpu.memory_space<hbm>> -> memref<1x100x100xi32, #tpu.memory_space<hbm>>
      %dma_wait3A_94 = tpu.memref_squeeze %dma_wait3A_93 : memref<1x100x100xi32, #tpu.memory_space<hbm>> -> memref<100x100xi32, #tpu.memory_space<hbm>>
      tpu.wait_dma2 semaphore(%run_scoped3A : memref<!tpu.dma_semaphore, #tpu.memory_space<semaphore_mem>>) src(%dma_wait3A_94 : memref<100x100xi32, #tpu.memory_space<hbm>>) dst(%arg8 : memref<100x100xi32, #tpu.memory_space<vmem>>)
      tpu.yield
    }) : () -> ()
    %dma_start3A = arith.constant 0 : i32
    %dma_start3A_5 = arith.constant 0 : i32
    %dma_start3A_6 = arith.constant 0 : i32
    %dma_start3A_7 = tpu.memref_slice %arg7[%dma_start3A_5, %dma_start3A_6] : memref<2x100xi32, #tpu.memory_space<vmem>> -> memref<1x100xi32, #tpu.memory_space<vmem>>
    %dma_start3A_8 = tpu.memref_squeeze %dma_start3A_7 : memref<1x100xi32, #tpu.memory_space<vmem>> -> memref<100xi32, #tpu.memory_space<vmem>>
    %dma_start3A_9 = arith.constant 0 : i32
    %dma_start3A_10 = tpu.memref_slice %arg3[%add3A, %dma_start3A, %dma_start3A_9] : memref<32x100x100xi32, #tpu.memory_space<hbm>> -> memref<1x1x100xi32, #tpu.memory_space<hbm>>
    %dma_start3A_11 = tpu.memref_squeeze %dma_start3A_10 : memref<1x1x100xi32, #tpu.memory_space<hbm>> -> memref<100xi32, #tpu.memory_space<hbm>>
    %dma_start3A_12 = arith.constant 0 : i32
    %dma_start3A_13 = tpu.memref_slice %arg7[%dma_start3A_5, %dma_start3A_12] : memref<2x100xi32, #tpu.memory_space<vmem>> -> memref<1x100xi32, #tpu.memory_space<vmem>>
    %dma_start3A_14 = tpu.memref_squeeze %dma_start3A_13 : memref<1x100xi32, #tpu.memory_space<vmem>> -> memref<100xi32, #tpu.memory_space<vmem>>
    %dma_start3A_15 = arith.constant 0 : i32
    %dma_start3A_16 = tpu.memref_slice %arg3[%add3A, %dma_start3A, %dma_start3A_15] : memref<32x100x100xi32, #tpu.memory_space<hbm>> -> memref<1x1x100xi32, #tpu.memory_space<hbm>>
    %dma_start3A_17 = tpu.memref_squeeze %dma_start3A_16 : memref<1x1x100xi32, #tpu.memory_space<hbm>> -> memref<100xi32, #tpu.memory_space<hbm>>
    tpu.enqueue_dma source(%dma_start3A_17 : memref<100xi32, #tpu.memory_space<hbm>>) target(%dma_start3A_14 : memref<100xi32, #tpu.memory_space<vmem>>) target_semaphore(%arg11 : memref<!tpu.dma_semaphore, #tpu.memory_space<semaphore_mem>>)
    %dma_start3A_18 = arith.constant 1 : i32
    %dma_start3A_19 = arith.constant 1 : i32
    %dma_start3A_20 = arith.constant 0 : i32
    %dma_start3A_21 = tpu.memref_slice %arg7[%dma_start3A_19, %dma_start3A_20] : memref<2x100xi32, #tpu.memory_space<vmem>> -> memref<1x100xi32, #tpu.memory_space<vmem>>
    %dma_start3A_22 = tpu.memref_squeeze %dma_start3A_21 : memref<1x100xi32, #tpu.memory_space<vmem>> -> memref<100xi32, #tpu.memory_space<vmem>>
    %dma_start3A_23 = arith.constant 0 : i32
    %dma_start3A_24 = tpu.memref_slice %arg3[%add3A, %dma_start3A_18, %dma_start3A_23] : memref<32x100x100xi32, #tpu.memory_space<hbm>> -> memref<1x1x100xi32, #tpu.memory_space<hbm>>
    %dma_start3A_25 = tpu.memref_squeeze %dma_start3A_24 : memref<1x1x100xi32, #tpu.memory_space<hbm>> -> memref<100xi32, #tpu.memory_space<hbm>>
    %dma_start3A_26 = arith.constant 0 : i32
    %dma_start3A_27 = tpu.memref_slice %arg7[%dma_start3A_19, %dma_start3A_26] : memref<2x100xi32, #tpu.memory_space<vmem>> -> memref<1x100xi32, #tpu.memory_space<vmem>>
    %dma_start3A_28 = tpu.memref_squeeze %dma_start3A_27 : memref<1x100xi32, #tpu.memory_space<vmem>> -> memref<100xi32, #tpu.memory_space<vmem>>
    %dma_start3A_29 = arith.constant 0 : i32
    %dma_start3A_30 = tpu.memref_slice %arg3[%add3A, %dma_start3A_18, %dma_start3A_29] : memref<32x100x100xi32, #tpu.memory_space<hbm>> -> memref<1x1x100xi32, #tpu.memory_space<hbm>>
    %dma_start3A_31 = tpu.memref_squeeze %dma_start3A_30 : memref<1x1x100xi32, #tpu.memory_space<hbm>> -> memref<100xi32, #tpu.memory_space<hbm>>
    tpu.enqueue_dma source(%dma_start3A_31 : memref<100xi32, #tpu.memory_space<hbm>>) target(%dma_start3A_28 : memref<100xi32, #tpu.memory_space<vmem>>) target_semaphore(%arg12 : memref<!tpu.dma_semaphore, #tpu.memory_space<semaphore_mem>>)
    %dma_wait3A = arith.constant 0 : i32
    %dma_wait3A_32 = arith.constant 0 : i32
    %dma_wait3A_33 = arith.constant 0 : i32
    %dma_wait3A_34 = tpu.memref_slice %arg7[%dma_wait3A_32, %dma_wait3A_33] : memref<2x100xi32, #tpu.memory_space<vmem>> -> memref<1x100xi32, #tpu.memory_space<vmem>>
    %dma_wait3A_35 = tpu.memref_squeeze %dma_wait3A_34 : memref<1x100xi32, #tpu.memory_space<vmem>> -> memref<100xi32, #tpu.memory_space<vmem>>
    %dma_wait3A_36 = arith.constant 0 : i32
    %dma_wait3A_37 = tpu.memref_slice %arg3[%add3A, %dma_wait3A, %dma_wait3A_36] : memref<32x100x100xi32, #tpu.memory_space<hbm>> -> memref<1x1x100xi32, #tpu.memory_space<hbm>>
    %dma_wait3A_38 = tpu.memref_squeeze %dma_wait3A_37 : memref<1x1x100xi32, #tpu.memory_space<hbm>> -> memref<100xi32, #tpu.memory_space<hbm>>
    %dma_wait3A_39 = arith.constant 0 : i32
    %dma_wait3A_40 = tpu.memref_slice %arg7[%dma_wait3A_32, %dma_wait3A_39] : memref<2x100xi32, #tpu.memory_space<vmem>> -> memref<1x100xi32, #tpu.memory_space<vmem>>
    %dma_wait3A_41 = tpu.memref_squeeze %dma_wait3A_40 : memref<1x100xi32, #tpu.memory_space<vmem>> -> memref<100xi32, #tpu.memory_space<vmem>>
    %dma_wait3A_42 = arith.constant 0 : i32
    %dma_wait3A_43 = tpu.memref_slice %arg3[%add3A, %dma_wait3A, %dma_wait3A_42] : memref<32x100x100xi32, #tpu.memory_space<hbm>> -> memref<1x1x100xi32, #tpu.memory_space<hbm>>
    %dma_wait3A_44 = tpu.memref_squeeze %dma_wait3A_43 : memref<1x1x100xi32, #tpu.memory_space<hbm>> -> memref<100xi32, #tpu.memory_space<hbm>>
    tpu.wait_dma2 semaphore(%arg11 : memref<!tpu.dma_semaphore, #tpu.memory_space<semaphore_mem>>) src(%dma_wait3A_44 : memref<100xi32, #tpu.memory_space<hbm>>) dst(%dma_wait3A_41 : memref<100xi32, #tpu.memory_space<vmem>>)
    %dma_start3A_45 = arith.constant 0 : i32
    %dma_start3A_46 = arith.constant 0 : i32
    %dma_start3A_47 = arith.constant 0 : i32
    %dma_start3A_48 = arith.constant 0 : i32
    %dma_start3A_49 = tpu.memref_slice %arg9[%dma_start3A_46, %dma_start3A_47, %dma_start3A_48] : memref<2x100x144xf32, #tpu.memory_space<vmem>> -> memref<1x100x144xf32, #tpu.memory_space<vmem>>
    %dma_start3A_50 = tpu.memref_squeeze %dma_start3A_49 : memref<1x100x144xf32, #tpu.memory_space<vmem>> -> memref<100x144xf32, #tpu.memory_space<vmem>>
    %dma_start3A_51 = arith.constant 0 : i32
    %dma_start3A_52 = tpu.memref_slice %arg7[%dma_start3A_45, %dma_start3A_51] : memref<2x100xi32, #tpu.memory_space<vmem>> -> memref<1x100xi32, #tpu.memory_space<vmem>>
    %dma_start3A_53 = tpu.memref_squeeze %dma_start3A_52 : memref<1x100xi32, #tpu.memory_space<vmem>> -> memref<100xi32, #tpu.memory_space<vmem>>
    %dma_start3A_54 = arith.constant 0 : i32
    %dma_start3A_55 = arith.constant 0 : i32
    %dma_start3A_56 = tpu.memref_slice %arg2[%dma_start3A_54, %dma_start3A_55] : memref<10000x144xf32, #tpu.memory_space<hbm>> -> memref<10000x144xf32, #tpu.memory_space<hbm>>
    tpu.enqueue_indirect_dma source(%dma_start3A_56 : memref<10000x144xf32, #tpu.memory_space<hbm>>) target(%dma_start3A_50 : memref<100x144xf32, #tpu.memory_space<vmem>>) offsets(%dma_start3A_53 : memref<100xi32, #tpu.memory_space<vmem>>) semaphore(%arg13 : memref<!tpu.dma_semaphore, #tpu.memory_space<semaphore_mem>>)
    %barrier3A = arith.constant 0 : index
    tpu.barrier barrier_id(%barrier3A)
    %scan3A = arith.constant 0 : i32
    %scan3A_57 = arith.constant 0 : i32
    %scan3A_58 = arith.constant 50 : i32
    %scan3A_59 = arith.addi %scan3A_57, %scan3A_58 : i32
    %scan3A_60 = arith.constant 1 : i32
    scf.for %scan3A_79 = %scan3A_57 to %scan3A_59 step %scan3A_60  : i32 {
      %mul3A_80 = arith.constant 2 : i32
      %mul3A_81 = arith.muli %mul3A_80, %scan3A_79 : i32
      %add3A_82 = arith.constant 0 : i32
      %add3A_83 = arith.addi %mul3A_81, %add3A_82 : i32
      %dma_wait3A_84 = arith.constant 0 : i32
      %dma_wait3A_85 = arith.constant 0 : i32
      %dma_wait3A_86 = arith.constant 0 : i32
      %dma_wait3A_87 = arith.constant 0 : i32
      %dma_wait3A_88 = tpu.memref_slice %arg9[%dma_wait3A_85, %dma_wait3A_86, %dma_wait3A_87] : memref<2x100x144xf32, #tpu.memory_space<vmem>> -> memref<1x100x144xf32, #tpu.memory_space<vmem>>
      %dma_wait3A_89 = tpu.memref_squeeze %dma_wait3A_88 : memref<1x100x144xf32, #tpu.memory_space<vmem>> -> memref<100x144xf32, #tpu.memory_space<vmem>>
      %dma_wait3A_90 = arith.constant 0 : i32
      %dma_wait3A_91 = tpu.memref_slice %arg7[%dma_wait3A_84, %dma_wait3A_90] : memref<2x100xi32, #tpu.memory_space<vmem>> -> memref<1x100xi32, #tpu.memory_space<vmem>>
      %dma_wait3A_92 = tpu.memref_squeeze %dma_wait3A_91 : memref<1x100xi32, #tpu.memory_space<vmem>> -> memref<100xi32, #tpu.memory_space<vmem>>
      %dma_wait3A_93 = arith.constant 0 : i32
      %dma_wait3A_94 = arith.constant 0 : i32
      %dma_wait3A_95 = tpu.memref_slice %arg2[%dma_wait3A_93, %dma_wait3A_94] : memref<10000x144xf32, #tpu.memory_space<hbm>> -> memref<10000x144xf32, #tpu.memory_space<hbm>>
      tpu.wait_indirect_dma semaphore(%arg13 : memref<!tpu.dma_semaphore, #tpu.memory_space<semaphore_mem>>) src(%dma_wait3A_95 : memref<10000x144xf32, #tpu.memory_space<hbm>>) dst(%dma_wait3A_89 : memref<100x144xf32, #tpu.memory_space<vmem>>)
      %dma_start3A_96 = arith.constant 0 : i32
      %dma_start3A_97 = arith.constant 0 : i32
      %dma_start3A_98 = arith.constant 0 : i32
      %dma_start3A_99 = tpu.memref_slice %arg9[%dma_start3A_96, %dma_start3A_97, %dma_start3A_98] : memref<2x100x144xf32, #tpu.memory_space<vmem>> -> memref<1x100x144xf32, #tpu.memory_space<vmem>>
      %dma_start3A_100 = tpu.memref_squeeze %dma_start3A_99 : memref<1x100x144xf32, #tpu.memory_space<vmem>> -> memref<100x144xf32, #tpu.memory_space<vmem>>
      %dma_start3A_101 = arith.constant 0 : i32
      %dma_start3A_102 = tpu.memref_slice %arg8[%add3A_83, %dma_start3A_101] : memref<100x100xi32, #tpu.memory_space<vmem>> -> memref<1x100xi32, #tpu.memory_space<vmem>>
      %dma_start3A_103 = tpu.memref_squeeze %dma_start3A_102 : memref<1x100xi32, #tpu.memory_space<vmem>> -> memref<100xi32, #tpu.memory_space<vmem>>
      %dma_start3A_104 = arith.constant 0 : i32
      %dma_start3A_105 = arith.constant 0 : i32
      %dma_start3A_106 = tpu.memref_slice %arg10[%dma_start3A_104, %dma_start3A_105] : memref<10000x144xf32, #tpu.memory_space<vmem_shared>> -> memref<10000x144xf32, #tpu.memory_space<vmem_shared>>
      tpu.enqueue_indirect_dma source(%dma_start3A_100 : memref<100x144xf32, #tpu.memory_space<vmem>>) target(%dma_start3A_106 : memref<10000x144xf32, #tpu.memory_space<vmem_shared>>) offsets(%dma_start3A_103 : memref<100xi32, #tpu.memory_space<vmem>>) semaphore(%arg15 : memref<!tpu.dma_semaphore, #tpu.memory_space<semaphore_mem>>) {add = true}
      %add3A_107 = arith.constant 2 : i32
      %add3A_108 = arith.addi %add3A_83, %add3A_107 : i32
      %lt3A = arith.constant 100 : i32
      %lt3A_109 = arith.cmpi slt, %add3A_108, %lt3A : i32
      %convert_element_type3A = arith.extui %lt3A_109 : i1 to i32
      %cond3A = arith.constant 0 : i32
      %cond3A_110 = arith.cmpi ne, %convert_element_type3A, %cond3A : i32
      scf.if %cond3A_110 {
        %add3A_168 = arith.constant 2 : i32
        %add3A_169 = arith.addi %add3A_83, %add3A_168 : i32
        %dma_start3A_170 = arith.constant 0 : i32
        %dma_start3A_171 = arith.constant 0 : i32
        %dma_start3A_172 = tpu.memref_slice %arg7[%dma_start3A_170, %dma_start3A_171] : memref<2x100xi32, #tpu.memory_space<vmem>> -> memref<1x100xi32, #tpu.memory_space<vmem>>
        %dma_start3A_173 = tpu.memref_squeeze %dma_start3A_172 : memref<1x100xi32, #tpu.memory_space<vmem>> -> memref<100xi32, #tpu.memory_space<vmem>>
        %dma_start3A_174 = arith.constant 0 : i32
        %dma_start3A_175 = tpu.memref_slice %arg3[%add3A, %add3A_169, %dma_start3A_174] : memref<32x100x100xi32, #tpu.memory_space<hbm>> -> memref<1x1x100xi32, #tpu.memory_space<hbm>>
        %dma_start3A_176 = tpu.memref_squeeze %dma_start3A_175 : memref<1x1x100xi32, #tpu.memory_space<hbm>> -> memref<100xi32, #tpu.memory_space<hbm>>
        %dma_start3A_177 = arith.constant 0 : i32
        %dma_start3A_178 = tpu.memref_slice %arg7[%dma_start3A_170, %dma_start3A_177] : memref<2x100xi32, #tpu.memory_space<vmem>> -> memref<1x100xi32, #tpu.memory_space<vmem>>
        %dma_start3A_179 = tpu.memref_squeeze %dma_start3A_178 : memref<1x100xi32, #tpu.memory_space<vmem>> -> memref<100xi32, #tpu.memory_space<vmem>>
        %dma_start3A_180 = arith.constant 0 : i32
        %dma_start3A_181 = tpu.memref_slice %arg3[%add3A, %add3A_169, %dma_start3A_180] : memref<32x100x100xi32, #tpu.memory_space<hbm>> -> memref<1x1x100xi32, #tpu.memory_space<hbm>>
        %dma_start3A_182 = tpu.memref_squeeze %dma_start3A_181 : memref<1x1x100xi32, #tpu.memory_space<hbm>> -> memref<100xi32, #tpu.memory_space<hbm>>
        tpu.enqueue_dma source(%dma_start3A_182 : memref<100xi32, #tpu.memory_space<hbm>>) target(%dma_start3A_179 : memref<100xi32, #tpu.memory_space<vmem>>) target_semaphore(%arg11 : memref<!tpu.dma_semaphore, #tpu.memory_space<semaphore_mem>>)
      } else {
      }
      %ge3A = arith.constant 1 : i32
      %ge3A_111 = arith.cmpi sge, %add3A_83, %ge3A : i32
      %convert_element_type3A_112 = arith.extui %ge3A_111 : i1 to i32
      %cond3A_113 = arith.constant 0 : i32
      %cond3A_114 = arith.cmpi ne, %convert_element_type3A_112, %cond3A_113 : i32
      scf.if %cond3A_114 {
        %sub3A = arith.constant 1 : i32
        %sub3A_168 = arith.subi %add3A_83, %sub3A : i32
        %dma_wait3A_169 = arith.constant 1 : i32
        %dma_wait3A_170 = arith.constant 0 : i32
        %dma_wait3A_171 = arith.constant 0 : i32
        %dma_wait3A_172 = tpu.memref_slice %arg9[%dma_wait3A_169, %dma_wait3A_170, %dma_wait3A_171] : memref<2x100x144xf32, #tpu.memory_space<vmem>> -> memref<1x100x144xf32, #tpu.memory_space<vmem>>
        %dma_wait3A_173 = tpu.memref_squeeze %dma_wait3A_172 : memref<1x100x144xf32, #tpu.memory_space<vmem>> -> memref<100x144xf32, #tpu.memory_space<vmem>>
        %dma_wait3A_174 = arith.constant 0 : i32
        %dma_wait3A_175 = tpu.memref_slice %arg8[%sub3A_168, %dma_wait3A_174] : memref<100x100xi32, #tpu.memory_space<vmem>> -> memref<1x100xi32, #tpu.memory_space<vmem>>
        %dma_wait3A_176 = tpu.memref_squeeze %dma_wait3A_175 : memref<1x100xi32, #tpu.memory_space<vmem>> -> memref<100xi32, #tpu.memory_space<vmem>>
        %dma_wait3A_177 = arith.constant 0 : i32
        %dma_wait3A_178 = arith.constant 0 : i32
        %dma_wait3A_179 = tpu.memref_slice %arg10[%dma_wait3A_177, %dma_wait3A_178] : memref<10000x144xf32, #tpu.memory_space<vmem_shared>> -> memref<10000x144xf32, #tpu.memory_space<vmem_shared>>
        tpu.wait_indirect_dma semaphore(%arg16 : memref<!tpu.dma_semaphore, #tpu.memory_space<semaphore_mem>>) src(%dma_wait3A_173 : memref<100x144xf32, #tpu.memory_space<vmem>>) dst(%dma_wait3A_179 : memref<10000x144xf32, #tpu.memory_space<vmem_shared>>)
      } else {
      }
      %add3A_115 = arith.constant 1 : i32
      %add3A_116 = arith.addi %add3A_83, %add3A_115 : i32
      %lt3A_117 = arith.constant 100 : i32
      %lt3A_118 = arith.cmpi slt, %add3A_116, %lt3A_117 : i32
      %convert_element_type3A_119 = arith.extui %lt3A_118 : i1 to i32
      %cond3A_120 = arith.constant 0 : i32
      %cond3A_121 = arith.cmpi ne, %convert_element_type3A_119, %cond3A_120 : i32
      scf.if %cond3A_121 {
        %add3A_168 = arith.constant 1 : i32
        %add3A_169 = arith.addi %add3A_83, %add3A_168 : i32
        %dma_wait3A_170 = arith.constant 1 : i32
        %dma_wait3A_171 = arith.constant 0 : i32
        %dma_wait3A_172 = tpu.memref_slice %arg7[%dma_wait3A_170, %dma_wait3A_171] : memref<2x100xi32, #tpu.memory_space<vmem>> -> memref<1x100xi32, #tpu.memory_space<vmem>>
        %dma_wait3A_173 = tpu.memref_squeeze %dma_wait3A_172 : memref<1x100xi32, #tpu.memory_space<vmem>> -> memref<100xi32, #tpu.memory_space<vmem>>
        %dma_wait3A_174 = arith.constant 0 : i32
        %dma_wait3A_175 = tpu.memref_slice %arg3[%add3A, %add3A_169, %dma_wait3A_174] : memref<32x100x100xi32, #tpu.memory_space<hbm>> -> memref<1x1x100xi32, #tpu.memory_space<hbm>>
        %dma_wait3A_176 = tpu.memref_squeeze %dma_wait3A_175 : memref<1x1x100xi32, #tpu.memory_space<hbm>> -> memref<100xi32, #tpu.memory_space<hbm>>
        %dma_wait3A_177 = arith.constant 0 : i32
        %dma_wait3A_178 = tpu.memref_slice %arg7[%dma_wait3A_170, %dma_wait3A_177] : memref<2x100xi32, #tpu.memory_space<vmem>> -> memref<1x100xi32, #tpu.memory_space<vmem>>
        %dma_wait3A_179 = tpu.memref_squeeze %dma_wait3A_178 : memref<1x100xi32, #tpu.memory_space<vmem>> -> memref<100xi32, #tpu.memory_space<vmem>>
        %dma_wait3A_180 = arith.constant 0 : i32
        %dma_wait3A_181 = tpu.memref_slice %arg3[%add3A, %add3A_169, %dma_wait3A_180] : memref<32x100x100xi32, #tpu.memory_space<hbm>> -> memref<1x1x100xi32, #tpu.memory_space<hbm>>
        %dma_wait3A_182 = tpu.memref_squeeze %dma_wait3A_181 : memref<1x1x100xi32, #tpu.memory_space<hbm>> -> memref<100xi32, #tpu.memory_space<hbm>>
        tpu.wait_dma2 semaphore(%arg12 : memref<!tpu.dma_semaphore, #tpu.memory_space<semaphore_mem>>) src(%dma_wait3A_182 : memref<100xi32, #tpu.memory_space<hbm>>) dst(%dma_wait3A_179 : memref<100xi32, #tpu.memory_space<vmem>>)
        %dma_start3A_183 = arith.constant 1 : i32
        %dma_start3A_184 = arith.constant 1 : i32
        %dma_start3A_185 = arith.constant 0 : i32
        %dma_start3A_186 = arith.constant 0 : i32
        %dma_start3A_187 = tpu.memref_slice %arg9[%dma_start3A_184, %dma_start3A_185, %dma_start3A_186] : memref<2x100x144xf32, #tpu.memory_space<vmem>> -> memref<1x100x144xf32, #tpu.memory_space<vmem>>
        %dma_start3A_188 = tpu.memref_squeeze %dma_start3A_187 : memref<1x100x144xf32, #tpu.memory_space<vmem>> -> memref<100x144xf32, #tpu.memory_space<vmem>>
        %dma_start3A_189 = arith.constant 0 : i32
        %dma_start3A_190 = tpu.memref_slice %arg7[%dma_start3A_183, %dma_start3A_189] : memref<2x100xi32, #tpu.memory_space<vmem>> -> memref<1x100xi32, #tpu.memory_space<vmem>>
        %dma_start3A_191 = tpu.memref_squeeze %dma_start3A_190 : memref<1x100xi32, #tpu.memory_space<vmem>> -> memref<100xi32, #tpu.memory_space<vmem>>
        %dma_start3A_192 = arith.constant 0 : i32
        %dma_start3A_193 = arith.constant 0 : i32
        %dma_start3A_194 = tpu.memref_slice %arg2[%dma_start3A_192, %dma_start3A_193] : memref<10000x144xf32, #tpu.memory_space<hbm>> -> memref<10000x144xf32, #tpu.memory_space<hbm>>
        tpu.enqueue_indirect_dma source(%dma_start3A_194 : memref<10000x144xf32, #tpu.memory_space<hbm>>) target(%dma_start3A_188 : memref<100x144xf32, #tpu.memory_space<vmem>>) offsets(%dma_start3A_191 : memref<100xi32, #tpu.memory_space<vmem>>) semaphore(%arg14 : memref<!tpu.dma_semaphore, #tpu.memory_space<semaphore_mem>>)
      } else {
      }
      %mul3A_122 = arith.constant 2 : i32
      %mul3A_123 = arith.muli %mul3A_122, %scan3A_79 : i32
      %add3A_124 = arith.constant 1 : i32
      %add3A_125 = arith.addi %mul3A_123, %add3A_124 : i32
      %dma_wait3A_126 = arith.constant 1 : i32
      %dma_wait3A_127 = arith.constant 1 : i32
      %dma_wait3A_128 = arith.constant 0 : i32
      %dma_wait3A_129 = arith.constant 0 : i32
      %dma_wait3A_130 = tpu.memref_slice %arg9[%dma_wait3A_127, %dma_wait3A_128, %dma_wait3A_129] : memref<2x100x144xf32, #tpu.memory_space<vmem>> -> memref<1x100x144xf32, #tpu.memory_space<vmem>>
      %dma_wait3A_131 = tpu.memref_squeeze %dma_wait3A_130 : memref<1x100x144xf32, #tpu.memory_space<vmem>> -> memref<100x144xf32, #tpu.memory_space<vmem>>
      %dma_wait3A_132 = arith.constant 0 : i32
      %dma_wait3A_133 = tpu.memref_slice %arg7[%dma_wait3A_126, %dma_wait3A_132] : memref<2x100xi32, #tpu.memory_space<vmem>> -> memref<1x100xi32, #tpu.memory_space<vmem>>
      %dma_wait3A_134 = tpu.memref_squeeze %dma_wait3A_133 : memref<1x100xi32, #tpu.memory_space<vmem>> -> memref<100xi32, #tpu.memory_space<vmem>>
      %dma_wait3A_135 = arith.constant 0 : i32
      %dma_wait3A_136 = arith.constant 0 : i32
      %dma_wait3A_137 = tpu.memref_slice %arg2[%dma_wait3A_135, %dma_wait3A_136] : memref<10000x144xf32, #tpu.memory_space<hbm>> -> memref<10000x144xf32, #tpu.memory_space<hbm>>
      tpu.wait_indirect_dma semaphore(%arg14 : memref<!tpu.dma_semaphore, #tpu.memory_space<semaphore_mem>>) src(%dma_wait3A_137 : memref<10000x144xf32, #tpu.memory_space<hbm>>) dst(%dma_wait3A_131 : memref<100x144xf32, #tpu.memory_space<vmem>>)
      %dma_start3A_138 = arith.constant 1 : i32
      %dma_start3A_139 = arith.constant 0 : i32
      %dma_start3A_140 = arith.constant 0 : i32
      %dma_start3A_141 = tpu.memref_slice %arg9[%dma_start3A_138, %dma_start3A_139, %dma_start3A_140] : memref<2x100x144xf32, #tpu.memory_space<vmem>> -> memref<1x100x144xf32, #tpu.memory_space<vmem>>
      %dma_start3A_142 = tpu.memref_squeeze %dma_start3A_141 : memref<1x100x144xf32, #tpu.memory_space<vmem>> -> memref<100x144xf32, #tpu.memory_space<vmem>>
      %dma_start3A_143 = arith.constant 0 : i32
      %dma_start3A_144 = tpu.memref_slice %arg8[%add3A_125, %dma_start3A_143] : memref<100x100xi32, #tpu.memory_space<vmem>> -> memref<1x100xi32, #tpu.memory_space<vmem>>
      %dma_start3A_145 = tpu.memref_squeeze %dma_start3A_144 : memref<1x100xi32, #tpu.memory_space<vmem>> -> memref<100xi32, #tpu.memory_space<vmem>>
      %dma_start3A_146 = arith.constant 0 : i32
      %dma_start3A_147 = arith.constant 0 : i32
      %dma_start3A_148 = tpu.memref_slice %arg10[%dma_start3A_146, %dma_start3A_147] : memref<10000x144xf32, #tpu.memory_space<vmem_shared>> -> memref<10000x144xf32, #tpu.memory_space<vmem_shared>>
      tpu.enqueue_indirect_dma source(%dma_start3A_142 : memref<100x144xf32, #tpu.memory_space<vmem>>) target(%dma_start3A_148 : memref<10000x144xf32, #tpu.memory_space<vmem_shared>>) offsets(%dma_start3A_145 : memref<100xi32, #tpu.memory_space<vmem>>) semaphore(%arg16 : memref<!tpu.dma_semaphore, #tpu.memory_space<semaphore_mem>>) {add = true}
      %add3A_149 = arith.constant 2 : i32
      %add3A_150 = arith.addi %add3A_125, %add3A_149 : i32
      %lt3A_151 = arith.constant 100 : i32
      %lt3A_152 = arith.cmpi slt, %add3A_150, %lt3A_151 : i32
      %convert_element_type3A_153 = arith.extui %lt3A_152 : i1 to i32
      %cond3A_154 = arith.constant 0 : i32
      %cond3A_155 = arith.cmpi ne, %convert_element_type3A_153, %cond3A_154 : i32
      scf.if %cond3A_155 {
        %add3A_168 = arith.constant 2 : i32
        %add3A_169 = arith.addi %add3A_125, %add3A_168 : i32
        %dma_start3A_170 = arith.constant 1 : i32
        %dma_start3A_171 = arith.constant 0 : i32
        %dma_start3A_172 = tpu.memref_slice %arg7[%dma_start3A_170, %dma_start3A_171] : memref<2x100xi32, #tpu.memory_space<vmem>> -> memref<1x100xi32, #tpu.memory_space<vmem>>
        %dma_start3A_173 = tpu.memref_squeeze %dma_start3A_172 : memref<1x100xi32, #tpu.memory_space<vmem>> -> memref<100xi32, #tpu.memory_space<vmem>>
        %dma_start3A_174 = arith.constant 0 : i32
        %dma_start3A_175 = tpu.memref_slice %arg3[%add3A, %add3A_169, %dma_start3A_174] : memref<32x100x100xi32, #tpu.memory_space<hbm>> -> memref<1x1x100xi32, #tpu.memory_space<hbm>>
        %dma_start3A_176 = tpu.memref_squeeze %dma_start3A_175 : memref<1x1x100xi32, #tpu.memory_space<hbm>> -> memref<100xi32, #tpu.memory_space<hbm>>
        %dma_start3A_177 = arith.constant 0 : i32
        %dma_start3A_178 = tpu.memref_slice %arg7[%dma_start3A_170, %dma_start3A_177] : memref<2x100xi32, #tpu.memory_space<vmem>> -> memref<1x100xi32, #tpu.memory_space<vmem>>
        %dma_start3A_179 = tpu.memref_squeeze %dma_start3A_178 : memref<1x100xi32, #tpu.memory_space<vmem>> -> memref<100xi32, #tpu.memory_space<vmem>>
        %dma_start3A_180 = arith.constant 0 : i32
        %dma_start3A_181 = tpu.memref_slice %arg3[%add3A, %add3A_169, %dma_start3A_180] : memref<32x100x100xi32, #tpu.memory_space<hbm>> -> memref<1x1x100xi32, #tpu.memory_space<hbm>>
        %dma_start3A_182 = tpu.memref_squeeze %dma_start3A_181 : memref<1x1x100xi32, #tpu.memory_space<hbm>> -> memref<100xi32, #tpu.memory_space<hbm>>
        tpu.enqueue_dma source(%dma_start3A_182 : memref<100xi32, #tpu.memory_space<hbm>>) target(%dma_start3A_179 : memref<100xi32, #tpu.memory_space<vmem>>) target_semaphore(%arg12 : memref<!tpu.dma_semaphore, #tpu.memory_space<semaphore_mem>>)
      } else {
      }
      %ge3A_156 = arith.constant 1 : i32
      %ge3A_157 = arith.cmpi sge, %add3A_125, %ge3A_156 : i32
      %convert_element_type3A_158 = arith.extui %ge3A_157 : i1 to i32
      %cond3A_159 = arith.constant 0 : i32
      %cond3A_160 = arith.cmpi ne, %convert_element_type3A_158, %cond3A_159 : i32
      scf.if %cond3A_160 {
        %sub3A = arith.constant 1 : i32
        %sub3A_168 = arith.subi %add3A_125, %sub3A : i32
        %dma_wait3A_169 = arith.constant 0 : i32
        %dma_wait3A_170 = arith.constant 0 : i32
        %dma_wait3A_171 = arith.constant 0 : i32
        %dma_wait3A_172 = tpu.memref_slice %arg9[%dma_wait3A_169, %dma_wait3A_170, %dma_wait3A_171] : memref<2x100x144xf32, #tpu.memory_space<vmem>> -> memref<1x100x144xf32, #tpu.memory_space<vmem>>
        %dma_wait3A_173 = tpu.memref_squeeze %dma_wait3A_172 : memref<1x100x144xf32, #tpu.memory_space<vmem>> -> memref<100x144xf32, #tpu.memory_space<vmem>>
        %dma_wait3A_174 = arith.constant 0 : i32
        %dma_wait3A_175 = tpu.memref_slice %arg8[%sub3A_168, %dma_wait3A_174] : memref<100x100xi32, #tpu.memory_space<vmem>> -> memref<1x100xi32, #tpu.memory_space<vmem>>
        %dma_wait3A_176 = tpu.memref_squeeze %dma_wait3A_175 : memref<1x100xi32, #tpu.memory_space<vmem>> -> memref<100xi32, #tpu.memory_space<vmem>>
        %dma_wait3A_177 = arith.constant 0 : i32
        %dma_wait3A_178 = arith.constant 0 : i32
        %dma_wait3A_179 = tpu.memref_slice %arg10[%dma_wait3A_177, %dma_wait3A_178] : memref<10000x144xf32, #tpu.memory_space<vmem_shared>> -> memref<10000x144xf32, #tpu.memory_space<vmem_shared>>
        tpu.wait_indirect_dma semaphore(%arg15 : memref<!tpu.dma_semaphore, #tpu.memory_space<semaphore_mem>>) src(%dma_wait3A_173 : memref<100x144xf32, #tpu.memory_space<vmem>>) dst(%dma_wait3A_179 : memref<10000x144xf32, #tpu.memory_space<vmem_shared>>)
      } else {
      }
      %add3A_161 = arith.constant 1 : i32
      %add3A_162 = arith.addi %add3A_125, %add3A_161 : i32
      %lt3A_163 = arith.constant 100 : i32
      %lt3A_164 = arith.cmpi slt, %add3A_162, %lt3A_163 : i32
      %convert_element_type3A_165 = arith.extui %lt3A_164 : i1 to i32
      %cond3A_166 = arith.constant 0 : i32
      %cond3A_167 = arith.cmpi ne, %convert_element_type3A_165, %cond3A_166 : i32
      scf.if %cond3A_167 {
        %add3A_168 = arith.constant 1 : i32
        %add3A_169 = arith.addi %add3A_125, %add3A_168 : i32
        %dma_wait3A_170 = arith.constant 0 : i32
        %dma_wait3A_171 = arith.constant 0 : i32
        %dma_wait3A_172 = tpu.memref_slice %arg7[%dma_wait3A_170, %dma_wait3A_171] : memref<2x100xi32, #tpu.memory_space<vmem>> -> memref<1x100xi32, #tpu.memory_space<vmem>>
        %dma_wait3A_173 = tpu.memref_squeeze %dma_wait3A_172 : memref<1x100xi32, #tpu.memory_space<vmem>> -> memref<100xi32, #tpu.memory_space<vmem>>
        %dma_wait3A_174 = arith.constant 0 : i32
        %dma_wait3A_175 = tpu.memref_slice %arg3[%add3A, %add3A_169, %dma_wait3A_174] : memref<32x100x100xi32, #tpu.memory_space<hbm>> -> memref<1x1x100xi32, #tpu.memory_space<hbm>>
        %dma_wait3A_176 = tpu.memref_squeeze %dma_wait3A_175 : memref<1x1x100xi32, #tpu.memory_space<hbm>> -> memref<100xi32, #tpu.memory_space<hbm>>
        %dma_wait3A_177 = arith.constant 0 : i32
        %dma_wait3A_178 = tpu.memref_slice %arg7[%dma_wait3A_170, %dma_wait3A_177] : memref<2x100xi32, #tpu.memory_space<vmem>> -> memref<1x100xi32, #tpu.memory_space<vmem>>
        %dma_wait3A_179 = tpu.memref_squeeze %dma_wait3A_178 : memref<1x100xi32, #tpu.memory_space<vmem>> -> memref<100xi32, #tpu.memory_space<vmem>>
        %dma_wait3A_180 = arith.constant 0 : i32
        %dma_wait3A_181 = tpu.memref_slice %arg3[%add3A, %add3A_169, %dma_wait3A_180] : memref<32x100x100xi32, #tpu.memory_space<hbm>> -> memref<1x1x100xi32, #tpu.memory_space<hbm>>
        %dma_wait3A_182 = tpu.memref_squeeze %dma_wait3A_181 : memref<1x1x100xi32, #tpu.memory_space<hbm>> -> memref<100xi32, #tpu.memory_space<hbm>>
        tpu.wait_dma2 semaphore(%arg11 : memref<!tpu.dma_semaphore, #tpu.memory_space<semaphore_mem>>) src(%dma_wait3A_182 : memref<100xi32, #tpu.memory_space<hbm>>) dst(%dma_wait3A_179 : memref<100xi32, #tpu.memory_space<vmem>>)
        %dma_start3A_183 = arith.constant 0 : i32
        %dma_start3A_184 = arith.constant 0 : i32
        %dma_start3A_185 = arith.constant 0 : i32
        %dma_start3A_186 = arith.constant 0 : i32
        %dma_start3A_187 = tpu.memref_slice %arg9[%dma_start3A_184, %dma_start3A_185, %dma_start3A_186] : memref<2x100x144xf32, #tpu.memory_space<vmem>> -> memref<1x100x144xf32, #tpu.memory_space<vmem>>
        %dma_start3A_188 = tpu.memref_squeeze %dma_start3A_187 : memref<1x100x144xf32, #tpu.memory_space<vmem>> -> memref<100x144xf32, #tpu.memory_space<vmem>>
        %dma_start3A_189 = arith.constant 0 : i32
        %dma_start3A_190 = tpu.memref_slice %arg7[%dma_start3A_183, %dma_start3A_189] : memref<2x100xi32, #tpu.memory_space<vmem>> -> memref<1x100xi32, #tpu.memory_space<vmem>>
        %dma_start3A_191 = tpu.memref_squeeze %dma_start3A_190 : memref<1x100xi32, #tpu.memory_space<vmem>> -> memref<100xi32, #tpu.memory_space<vmem>>
        %dma_start3A_192 = arith.constant 0 : i32
        %dma_start3A_193 = arith.constant 0 : i32
        %dma_start3A_194 = tpu.memref_slice %arg2[%dma_start3A_192, %dma_start3A_193] : memref<10000x144xf32, #tpu.memory_space<hbm>> -> memref<10000x144xf32, #tpu.memory_space<hbm>>
        tpu.enqueue_indirect_dma source(%dma_start3A_194 : memref<10000x144xf32, #tpu.memory_space<hbm>>) target(%dma_start3A_188 : memref<100x144xf32, #tpu.memory_space<vmem>>) offsets(%dma_start3A_191 : memref<100xi32, #tpu.memory_space<vmem>>) semaphore(%arg13 : memref<!tpu.dma_semaphore, #tpu.memory_space<semaphore_mem>>)
      } else {
      }
    }
    %scan3A_61 = arith.constant 50 : i32
    %dma_wait3A_62 = arith.constant 1 : i32
    %dma_wait3A_63 = arith.constant 99 : i32
    %dma_wait3A_64 = arith.constant 0 : i32
    %dma_wait3A_65 = arith.constant 0 : i32
    %dma_wait3A_66 = tpu.memref_slice %arg9[%dma_wait3A_62, %dma_wait3A_64, %dma_wait3A_65] : memref<2x100x144xf32, #tpu.memory_space<vmem>> -> memref<1x100x144xf32, #tpu.memory_space<vmem>>
    %dma_wait3A_67 = tpu.memref_squeeze %dma_wait3A_66 : memref<1x100x144xf32, #tpu.memory_space<vmem>> -> memref<100x144xf32, #tpu.memory_space<vmem>>
    %dma_wait3A_68 = arith.constant 0 : i32
    %dma_wait3A_69 = tpu.memref_slice %arg8[%dma_wait3A_63, %dma_wait3A_68] : memref<100x100xi32, #tpu.memory_space<vmem>> -> memref<1x100xi32, #tpu.memory_space<vmem>>
    %dma_wait3A_70 = tpu.memref_squeeze %dma_wait3A_69 : memref<1x100xi32, #tpu.memory_space<vmem>> -> memref<100xi32, #tpu.memory_space<vmem>>
    %dma_wait3A_71 = arith.constant 0 : i32
    %dma_wait3A_72 = arith.constant 0 : i32
    %dma_wait3A_73 = tpu.memref_slice %arg10[%dma_wait3A_71, %dma_wait3A_72] : memref<10000x144xf32, #tpu.memory_space<vmem_shared>> -> memref<10000x144xf32, #tpu.memory_space<vmem_shared>>
    tpu.wait_indirect_dma semaphore(%arg16 : memref<!tpu.dma_semaphore, #tpu.memory_space<semaphore_mem>>) src(%dma_wait3A_67 : memref<100x144xf32, #tpu.memory_space<vmem>>) dst(%dma_wait3A_73 : memref<10000x144xf32, #tpu.memory_space<vmem_shared>>)
    %barrier3A_74 = arith.constant 0 : index
    tpu.barrier barrier_id(%barrier3A_74)
    %mul3A_75 = arith.constant 625 : i32
    %mul3A_76 = arith.muli %arg1, %mul3A_75 : i32
    %mul3A_77 = arith.constant 625 : i32
    %mul3A_78 = arith.muli %arg1, %mul3A_77 : i32
    "tpu.region"() ({
      %run_scoped3A = tpu.sem_alloc : memref<!tpu.dma_semaphore, #tpu.memory_space<semaphore_mem>>
      %dma_start3A_79 = arith.constant 0 : i32
      %dma_start3A_80 = tpu.memref_slice %arg6[%arg0, %mul3A_78, %dma_start3A_79] : memref<2x10000x144xf32, #tpu.memory_space<hbm>> -> memref<1x625x144xf32, #tpu.memory_space<hbm>>
      %dma_start3A_81 = tpu.memref_squeeze %dma_start3A_80 : memref<1x625x144xf32, #tpu.memory_space<hbm>> -> memref<625x144xf32, #tpu.memory_space<hbm>>
      %dma_start3A_82 = arith.constant 0 : i32
      %dma_start3A_83 = tpu.memref_slice %arg10[%mul3A_76, %dma_start3A_82] : memref<10000x144xf32, #tpu.memory_space<vmem_shared>> -> memref<625x144xf32, #tpu.memory_space<vmem_shared>>
      tpu.enqueue_dma source(%dma_start3A_83 : memref<625x144xf32, #tpu.memory_space<vmem_shared>>) target(%dma_start3A_81 : memref<625x144xf32, #tpu.memory_space<hbm>>) target_semaphore(%run_scoped3A : memref<!tpu.dma_semaphore, #tpu.memory_space<semaphore_mem>>)
      %dma_wait3A_84 = arith.constant 0 : i32
      %dma_wait3A_85 = tpu.memref_slice %arg6[%arg0, %mul3A_78, %dma_wait3A_84] : memref<2x10000x144xf32, #tpu.memory_space<hbm>> -> memref<1x625x144xf32, #tpu.memory_space<hbm>>
      %dma_wait3A_86 = tpu.memref_squeeze %dma_wait3A_85 : memref<1x625x144xf32, #tpu.memory_space<hbm>> -> memref<625x144xf32, #tpu.memory_space<hbm>>
      %dma_wait3A_87 = arith.constant 0 : i32
      %dma_wait3A_88 = tpu.memref_slice %arg10[%mul3A_76, %dma_wait3A_87] : memref<10000x144xf32, #tpu.memory_space<vmem_shared>> -> memref<625x144xf32, #tpu.memory_space<vmem_shared>>
      tpu.wait_dma2 semaphore(%run_scoped3A : memref<!tpu.dma_semaphore, #tpu.memory_space<semaphore_mem>>) src(%dma_wait3A_88 : memref<625x144xf32, #tpu.memory_space<vmem_shared>>) dst(%dma_wait3A_86 : memref<625x144xf32, #tpu.memory_space<hbm>>)
      tpu.yield
    }) : () -> ()
    return
  }
}

#map = affine_map<(d0, d1) -> (0, 0)>
#map1 = affine_map<(d0, d1) -> (0, 0, 0)>
module attributes {stable_mosaic.version = 14 : i64} {
  func.func @sc_pass(%arg0: i32, %arg1: i32, %arg2: memref<10000x128xf32, #tpu.memory_space<hbm>>, %arg3: memref<32x100x100xi32, #tpu.memory_space<hbm>>, %arg4: memref<32x100x100xi32, #tpu.memory_space<hbm>>, %arg5: memref<10000x128xf32, #tpu.memory_space<hbm>>, %arg6: memref<2x10000x128xf32, #tpu.memory_space<hbm>>, %arg7: memref<2x100xi32, #tpu.memory_space<vmem>>, %arg8: memref<100x100xi32, #tpu.memory_space<vmem>>, %arg9: memref<2x100x128xf32, #tpu.memory_space<vmem>>, %arg10: memref<10000x128xf32, #tpu.memory_space<vmem_shared>>, %arg11: memref<!tpu.dma_semaphore, #tpu.memory_space<semaphore_mem>>, %arg12: memref<!tpu.dma_semaphore, #tpu.memory_space<semaphore_mem>>, %arg13: memref<!tpu.dma_semaphore, #tpu.memory_space<semaphore_mem>>, %arg14: memref<!tpu.dma_semaphore, #tpu.memory_space<semaphore_mem>>, %arg15: memref<!tpu.dma_semaphore, #tpu.memory_space<semaphore_mem>>, %arg16: memref<!tpu.dma_semaphore, #tpu.memory_space<semaphore_mem>>) attributes {dimension_semantics = [#tpu.dimension_semantics<core_parallel>, #tpu.dimension_semantics<subcore_parallel>], iteration_bounds = array<i64: 2, 16>, scalar_prefetch = 0 : i64, scratch_operands = 10 : i64, tpu.core_type = #tpu.core_type<sc_vector_subcore>, window_params = [{transform_indices = #map}, {transform_indices = #map1}, {transform_indices = #map1}, {transform_indices = #map}, {transform_indices = #map1}]} {
    %mul3A = arith.constant 16 : i32
    %mul3A_0 = arith.muli %arg0, %mul3A : i32
    %add3A = arith.addi %mul3A_0, %arg1 : i32
    %mul3A_1 = arith.constant 625 : i32
    %mul3A_2 = arith.muli %arg1, %mul3A_1 : i32
    %mul3A_3 = arith.constant 625 : i32
    %mul3A_4 = arith.muli %arg1, %mul3A_3 : i32
    "tpu.region"() ({
      %run_scoped3A = tpu.sem_alloc : memref<!tpu.dma_semaphore, #tpu.memory_space<semaphore_mem>>
      %dma_start3A_79 = arith.constant 0 : i32
      %dma_start3A_80 = tpu.memref_slice %arg10[%mul3A_4, %dma_start3A_79] : memref<10000x128xf32, #tpu.memory_space<vmem_shared>> -> memref<625x128xf32, #tpu.memory_space<vmem_shared>>
      %dma_start3A_81 = arith.constant 0 : i32
      %dma_start3A_82 = tpu.memref_slice %arg5[%mul3A_2, %dma_start3A_81] : memref<10000x128xf32, #tpu.memory_space<hbm>> -> memref<625x128xf32, #tpu.memory_space<hbm>>
      tpu.enqueue_dma source(%dma_start3A_82 : memref<625x128xf32, #tpu.memory_space<hbm>>) target(%dma_start3A_80 : memref<625x128xf32, #tpu.memory_space<vmem_shared>>) target_semaphore(%run_scoped3A : memref<!tpu.dma_semaphore, #tpu.memory_space<semaphore_mem>>)
      %dma_wait3A_83 = arith.constant 0 : i32
      %dma_wait3A_84 = tpu.memref_slice %arg10[%mul3A_4, %dma_wait3A_83] : memref<10000x128xf32, #tpu.memory_space<vmem_shared>> -> memref<625x128xf32, #tpu.memory_space<vmem_shared>>
      %dma_wait3A_85 = arith.constant 0 : i32
      %dma_wait3A_86 = tpu.memref_slice %arg5[%mul3A_2, %dma_wait3A_85] : memref<10000x128xf32, #tpu.memory_space<hbm>> -> memref<625x128xf32, #tpu.memory_space<hbm>>
      tpu.wait_dma2 semaphore(%run_scoped3A : memref<!tpu.dma_semaphore, #tpu.memory_space<semaphore_mem>>) src(%dma_wait3A_86 : memref<625x128xf32, #tpu.memory_space<hbm>>) dst(%dma_wait3A_84 : memref<625x128xf32, #tpu.memory_space<vmem_shared>>)
      tpu.yield
    }) : () -> ()
    "tpu.region"() ({
      %run_scoped3A = tpu.sem_alloc : memref<!tpu.dma_semaphore, #tpu.memory_space<semaphore_mem>>
      %dma_start3A_79 = arith.constant 0 : i32
      %dma_start3A_80 = arith.constant 0 : i32
      %dma_start3A_81 = tpu.memref_slice %arg4[%add3A, %dma_start3A_79, %dma_start3A_80] : memref<32x100x100xi32, #tpu.memory_space<hbm>> -> memref<1x100x100xi32, #tpu.memory_space<hbm>>
      %dma_start3A_82 = tpu.memref_squeeze %dma_start3A_81 : memref<1x100x100xi32, #tpu.memory_space<hbm>> -> memref<100x100xi32, #tpu.memory_space<hbm>>
      %dma_start3A_83 = arith.constant 0 : i32
      %dma_start3A_84 = arith.constant 0 : i32
      %dma_start3A_85 = tpu.memref_slice %arg4[%add3A, %dma_start3A_83, %dma_start3A_84] : memref<32x100x100xi32, #tpu.memory_space<hbm>> -> memref<1x100x100xi32, #tpu.memory_space<hbm>>
      %dma_start3A_86 = tpu.memref_squeeze %dma_start3A_85 : memref<1x100x100xi32, #tpu.memory_space<hbm>> -> memref<100x100xi32, #tpu.memory_space<hbm>>
      tpu.enqueue_dma source(%dma_start3A_86 : memref<100x100xi32, #tpu.memory_space<hbm>>) target(%arg8 : memref<100x100xi32, #tpu.memory_space<vmem>>) target_semaphore(%run_scoped3A : memref<!tpu.dma_semaphore, #tpu.memory_space<semaphore_mem>>)
      %dma_wait3A_87 = arith.constant 0 : i32
      %dma_wait3A_88 = arith.constant 0 : i32
      %dma_wait3A_89 = tpu.memref_slice %arg4[%add3A, %dma_wait3A_87, %dma_wait3A_88] : memref<32x100x100xi32, #tpu.memory_space<hbm>> -> memref<1x100x100xi32, #tpu.memory_space<hbm>>
      %dma_wait3A_90 = tpu.memref_squeeze %dma_wait3A_89 : memref<1x100x100xi32, #tpu.memory_space<hbm>> -> memref<100x100xi32, #tpu.memory_space<hbm>>
      %dma_wait3A_91 = arith.constant 0 : i32
      %dma_wait3A_92 = arith.constant 0 : i32
      %dma_wait3A_93 = tpu.memref_slice %arg4[%add3A, %dma_wait3A_91, %dma_wait3A_92] : memref<32x100x100xi32, #tpu.memory_space<hbm>> -> memref<1x100x100xi32, #tpu.memory_space<hbm>>
      %dma_wait3A_94 = tpu.memref_squeeze %dma_wait3A_93 : memref<1x100x100xi32, #tpu.memory_space<hbm>> -> memref<100x100xi32, #tpu.memory_space<hbm>>
      tpu.wait_dma2 semaphore(%run_scoped3A : memref<!tpu.dma_semaphore, #tpu.memory_space<semaphore_mem>>) src(%dma_wait3A_94 : memref<100x100xi32, #tpu.memory_space<hbm>>) dst(%arg8 : memref<100x100xi32, #tpu.memory_space<vmem>>)
      tpu.yield
    }) : () -> ()
    %dma_start3A = arith.constant 0 : i32
    %dma_start3A_5 = arith.constant 0 : i32
    %dma_start3A_6 = arith.constant 0 : i32
    %dma_start3A_7 = tpu.memref_slice %arg7[%dma_start3A_5, %dma_start3A_6] : memref<2x100xi32, #tpu.memory_space<vmem>> -> memref<1x100xi32, #tpu.memory_space<vmem>>
    %dma_start3A_8 = tpu.memref_squeeze %dma_start3A_7 : memref<1x100xi32, #tpu.memory_space<vmem>> -> memref<100xi32, #tpu.memory_space<vmem>>
    %dma_start3A_9 = arith.constant 0 : i32
    %dma_start3A_10 = tpu.memref_slice %arg3[%add3A, %dma_start3A, %dma_start3A_9] : memref<32x100x100xi32, #tpu.memory_space<hbm>> -> memref<1x1x100xi32, #tpu.memory_space<hbm>>
    %dma_start3A_11 = tpu.memref_squeeze %dma_start3A_10 : memref<1x1x100xi32, #tpu.memory_space<hbm>> -> memref<100xi32, #tpu.memory_space<hbm>>
    %dma_start3A_12 = arith.constant 0 : i32
    %dma_start3A_13 = tpu.memref_slice %arg7[%dma_start3A_5, %dma_start3A_12] : memref<2x100xi32, #tpu.memory_space<vmem>> -> memref<1x100xi32, #tpu.memory_space<vmem>>
    %dma_start3A_14 = tpu.memref_squeeze %dma_start3A_13 : memref<1x100xi32, #tpu.memory_space<vmem>> -> memref<100xi32, #tpu.memory_space<vmem>>
    %dma_start3A_15 = arith.constant 0 : i32
    %dma_start3A_16 = tpu.memref_slice %arg3[%add3A, %dma_start3A, %dma_start3A_15] : memref<32x100x100xi32, #tpu.memory_space<hbm>> -> memref<1x1x100xi32, #tpu.memory_space<hbm>>
    %dma_start3A_17 = tpu.memref_squeeze %dma_start3A_16 : memref<1x1x100xi32, #tpu.memory_space<hbm>> -> memref<100xi32, #tpu.memory_space<hbm>>
    tpu.enqueue_dma source(%dma_start3A_17 : memref<100xi32, #tpu.memory_space<hbm>>) target(%dma_start3A_14 : memref<100xi32, #tpu.memory_space<vmem>>) target_semaphore(%arg11 : memref<!tpu.dma_semaphore, #tpu.memory_space<semaphore_mem>>)
    %dma_start3A_18 = arith.constant 1 : i32
    %dma_start3A_19 = arith.constant 1 : i32
    %dma_start3A_20 = arith.constant 0 : i32
    %dma_start3A_21 = tpu.memref_slice %arg7[%dma_start3A_19, %dma_start3A_20] : memref<2x100xi32, #tpu.memory_space<vmem>> -> memref<1x100xi32, #tpu.memory_space<vmem>>
    %dma_start3A_22 = tpu.memref_squeeze %dma_start3A_21 : memref<1x100xi32, #tpu.memory_space<vmem>> -> memref<100xi32, #tpu.memory_space<vmem>>
    %dma_start3A_23 = arith.constant 0 : i32
    %dma_start3A_24 = tpu.memref_slice %arg3[%add3A, %dma_start3A_18, %dma_start3A_23] : memref<32x100x100xi32, #tpu.memory_space<hbm>> -> memref<1x1x100xi32, #tpu.memory_space<hbm>>
    %dma_start3A_25 = tpu.memref_squeeze %dma_start3A_24 : memref<1x1x100xi32, #tpu.memory_space<hbm>> -> memref<100xi32, #tpu.memory_space<hbm>>
    %dma_start3A_26 = arith.constant 0 : i32
    %dma_start3A_27 = tpu.memref_slice %arg7[%dma_start3A_19, %dma_start3A_26] : memref<2x100xi32, #tpu.memory_space<vmem>> -> memref<1x100xi32, #tpu.memory_space<vmem>>
    %dma_start3A_28 = tpu.memref_squeeze %dma_start3A_27 : memref<1x100xi32, #tpu.memory_space<vmem>> -> memref<100xi32, #tpu.memory_space<vmem>>
    %dma_start3A_29 = arith.constant 0 : i32
    %dma_start3A_30 = tpu.memref_slice %arg3[%add3A, %dma_start3A_18, %dma_start3A_29] : memref<32x100x100xi32, #tpu.memory_space<hbm>> -> memref<1x1x100xi32, #tpu.memory_space<hbm>>
    %dma_start3A_31 = tpu.memref_squeeze %dma_start3A_30 : memref<1x1x100xi32, #tpu.memory_space<hbm>> -> memref<100xi32, #tpu.memory_space<hbm>>
    tpu.enqueue_dma source(%dma_start3A_31 : memref<100xi32, #tpu.memory_space<hbm>>) target(%dma_start3A_28 : memref<100xi32, #tpu.memory_space<vmem>>) target_semaphore(%arg12 : memref<!tpu.dma_semaphore, #tpu.memory_space<semaphore_mem>>)
    %dma_wait3A = arith.constant 0 : i32
    %dma_wait3A_32 = arith.constant 0 : i32
    %dma_wait3A_33 = arith.constant 0 : i32
    %dma_wait3A_34 = tpu.memref_slice %arg7[%dma_wait3A_32, %dma_wait3A_33] : memref<2x100xi32, #tpu.memory_space<vmem>> -> memref<1x100xi32, #tpu.memory_space<vmem>>
    %dma_wait3A_35 = tpu.memref_squeeze %dma_wait3A_34 : memref<1x100xi32, #tpu.memory_space<vmem>> -> memref<100xi32, #tpu.memory_space<vmem>>
    %dma_wait3A_36 = arith.constant 0 : i32
    %dma_wait3A_37 = tpu.memref_slice %arg3[%add3A, %dma_wait3A, %dma_wait3A_36] : memref<32x100x100xi32, #tpu.memory_space<hbm>> -> memref<1x1x100xi32, #tpu.memory_space<hbm>>
    %dma_wait3A_38 = tpu.memref_squeeze %dma_wait3A_37 : memref<1x1x100xi32, #tpu.memory_space<hbm>> -> memref<100xi32, #tpu.memory_space<hbm>>
    %dma_wait3A_39 = arith.constant 0 : i32
    %dma_wait3A_40 = tpu.memref_slice %arg7[%dma_wait3A_32, %dma_wait3A_39] : memref<2x100xi32, #tpu.memory_space<vmem>> -> memref<1x100xi32, #tpu.memory_space<vmem>>
    %dma_wait3A_41 = tpu.memref_squeeze %dma_wait3A_40 : memref<1x100xi32, #tpu.memory_space<vmem>> -> memref<100xi32, #tpu.memory_space<vmem>>
    %dma_wait3A_42 = arith.constant 0 : i32
    %dma_wait3A_43 = tpu.memref_slice %arg3[%add3A, %dma_wait3A, %dma_wait3A_42] : memref<32x100x100xi32, #tpu.memory_space<hbm>> -> memref<1x1x100xi32, #tpu.memory_space<hbm>>
    %dma_wait3A_44 = tpu.memref_squeeze %dma_wait3A_43 : memref<1x1x100xi32, #tpu.memory_space<hbm>> -> memref<100xi32, #tpu.memory_space<hbm>>
    tpu.wait_dma2 semaphore(%arg11 : memref<!tpu.dma_semaphore, #tpu.memory_space<semaphore_mem>>) src(%dma_wait3A_44 : memref<100xi32, #tpu.memory_space<hbm>>) dst(%dma_wait3A_41 : memref<100xi32, #tpu.memory_space<vmem>>)
    %dma_start3A_45 = arith.constant 0 : i32
    %dma_start3A_46 = arith.constant 0 : i32
    %dma_start3A_47 = arith.constant 0 : i32
    %dma_start3A_48 = arith.constant 0 : i32
    %dma_start3A_49 = tpu.memref_slice %arg9[%dma_start3A_46, %dma_start3A_47, %dma_start3A_48] : memref<2x100x128xf32, #tpu.memory_space<vmem>> -> memref<1x100x128xf32, #tpu.memory_space<vmem>>
    %dma_start3A_50 = tpu.memref_squeeze %dma_start3A_49 : memref<1x100x128xf32, #tpu.memory_space<vmem>> -> memref<100x128xf32, #tpu.memory_space<vmem>>
    %dma_start3A_51 = arith.constant 0 : i32
    %dma_start3A_52 = tpu.memref_slice %arg7[%dma_start3A_45, %dma_start3A_51] : memref<2x100xi32, #tpu.memory_space<vmem>> -> memref<1x100xi32, #tpu.memory_space<vmem>>
    %dma_start3A_53 = tpu.memref_squeeze %dma_start3A_52 : memref<1x100xi32, #tpu.memory_space<vmem>> -> memref<100xi32, #tpu.memory_space<vmem>>
    %dma_start3A_54 = arith.constant 0 : i32
    %dma_start3A_55 = arith.constant 0 : i32
    %dma_start3A_56 = tpu.memref_slice %arg2[%dma_start3A_54, %dma_start3A_55] : memref<10000x128xf32, #tpu.memory_space<hbm>> -> memref<10000x128xf32, #tpu.memory_space<hbm>>
    tpu.enqueue_indirect_dma source(%dma_start3A_56 : memref<10000x128xf32, #tpu.memory_space<hbm>>) target(%dma_start3A_50 : memref<100x128xf32, #tpu.memory_space<vmem>>) offsets(%dma_start3A_53 : memref<100xi32, #tpu.memory_space<vmem>>) semaphore(%arg13 : memref<!tpu.dma_semaphore, #tpu.memory_space<semaphore_mem>>)
    %barrier3A = arith.constant 0 : index
    tpu.barrier barrier_id(%barrier3A)
    %scan3A = arith.constant 0 : i32
    %scan3A_57 = arith.constant 0 : i32
    %scan3A_58 = arith.constant 50 : i32
    %scan3A_59 = arith.addi %scan3A_57, %scan3A_58 : i32
    %scan3A_60 = arith.constant 1 : i32
    scf.for %scan3A_79 = %scan3A_57 to %scan3A_59 step %scan3A_60  : i32 {
      %mul3A_80 = arith.constant 2 : i32
      %mul3A_81 = arith.muli %mul3A_80, %scan3A_79 : i32
      %add3A_82 = arith.constant 0 : i32
      %add3A_83 = arith.addi %mul3A_81, %add3A_82 : i32
      %dma_wait3A_84 = arith.constant 0 : i32
      %dma_wait3A_85 = arith.constant 0 : i32
      %dma_wait3A_86 = arith.constant 0 : i32
      %dma_wait3A_87 = arith.constant 0 : i32
      %dma_wait3A_88 = tpu.memref_slice %arg9[%dma_wait3A_85, %dma_wait3A_86, %dma_wait3A_87] : memref<2x100x128xf32, #tpu.memory_space<vmem>> -> memref<1x100x128xf32, #tpu.memory_space<vmem>>
      %dma_wait3A_89 = tpu.memref_squeeze %dma_wait3A_88 : memref<1x100x128xf32, #tpu.memory_space<vmem>> -> memref<100x128xf32, #tpu.memory_space<vmem>>
      %dma_wait3A_90 = arith.constant 0 : i32
      %dma_wait3A_91 = tpu.memref_slice %arg7[%dma_wait3A_84, %dma_wait3A_90] : memref<2x100xi32, #tpu.memory_space<vmem>> -> memref<1x100xi32, #tpu.memory_space<vmem>>
      %dma_wait3A_92 = tpu.memref_squeeze %dma_wait3A_91 : memref<1x100xi32, #tpu.memory_space<vmem>> -> memref<100xi32, #tpu.memory_space<vmem>>
      %dma_wait3A_93 = arith.constant 0 : i32
      %dma_wait3A_94 = arith.constant 0 : i32
      %dma_wait3A_95 = tpu.memref_slice %arg2[%dma_wait3A_93, %dma_wait3A_94] : memref<10000x128xf32, #tpu.memory_space<hbm>> -> memref<10000x128xf32, #tpu.memory_space<hbm>>
      tpu.wait_indirect_dma semaphore(%arg13 : memref<!tpu.dma_semaphore, #tpu.memory_space<semaphore_mem>>) src(%dma_wait3A_95 : memref<10000x128xf32, #tpu.memory_space<hbm>>) dst(%dma_wait3A_89 : memref<100x128xf32, #tpu.memory_space<vmem>>)
      %dma_start3A_96 = arith.constant 0 : i32
      %dma_start3A_97 = arith.constant 0 : i32
      %dma_start3A_98 = arith.constant 0 : i32
      %dma_start3A_99 = tpu.memref_slice %arg9[%dma_start3A_96, %dma_start3A_97, %dma_start3A_98] : memref<2x100x128xf32, #tpu.memory_space<vmem>> -> memref<1x100x128xf32, #tpu.memory_space<vmem>>
      %dma_start3A_100 = tpu.memref_squeeze %dma_start3A_99 : memref<1x100x128xf32, #tpu.memory_space<vmem>> -> memref<100x128xf32, #tpu.memory_space<vmem>>
      %dma_start3A_101 = arith.constant 0 : i32
      %dma_start3A_102 = tpu.memref_slice %arg8[%add3A_83, %dma_start3A_101] : memref<100x100xi32, #tpu.memory_space<vmem>> -> memref<1x100xi32, #tpu.memory_space<vmem>>
      %dma_start3A_103 = tpu.memref_squeeze %dma_start3A_102 : memref<1x100xi32, #tpu.memory_space<vmem>> -> memref<100xi32, #tpu.memory_space<vmem>>
      %dma_start3A_104 = arith.constant 0 : i32
      %dma_start3A_105 = arith.constant 0 : i32
      %dma_start3A_106 = tpu.memref_slice %arg10[%dma_start3A_104, %dma_start3A_105] : memref<10000x128xf32, #tpu.memory_space<vmem_shared>> -> memref<10000x128xf32, #tpu.memory_space<vmem_shared>>
      tpu.enqueue_indirect_dma source(%dma_start3A_100 : memref<100x128xf32, #tpu.memory_space<vmem>>) target(%dma_start3A_106 : memref<10000x128xf32, #tpu.memory_space<vmem_shared>>) offsets(%dma_start3A_103 : memref<100xi32, #tpu.memory_space<vmem>>) semaphore(%arg15 : memref<!tpu.dma_semaphore, #tpu.memory_space<semaphore_mem>>) {add = true}
      %add3A_107 = arith.constant 2 : i32
      %add3A_108 = arith.addi %add3A_83, %add3A_107 : i32
      %lt3A = arith.constant 100 : i32
      %lt3A_109 = arith.cmpi slt, %add3A_108, %lt3A : i32
      %convert_element_type3A = arith.extui %lt3A_109 : i1 to i32
      %cond3A = arith.constant 0 : i32
      %cond3A_110 = arith.cmpi ne, %convert_element_type3A, %cond3A : i32
      scf.if %cond3A_110 {
        %add3A_168 = arith.constant 2 : i32
        %add3A_169 = arith.addi %add3A_83, %add3A_168 : i32
        %dma_start3A_170 = arith.constant 0 : i32
        %dma_start3A_171 = arith.constant 0 : i32
        %dma_start3A_172 = tpu.memref_slice %arg7[%dma_start3A_170, %dma_start3A_171] : memref<2x100xi32, #tpu.memory_space<vmem>> -> memref<1x100xi32, #tpu.memory_space<vmem>>
        %dma_start3A_173 = tpu.memref_squeeze %dma_start3A_172 : memref<1x100xi32, #tpu.memory_space<vmem>> -> memref<100xi32, #tpu.memory_space<vmem>>
        %dma_start3A_174 = arith.constant 0 : i32
        %dma_start3A_175 = tpu.memref_slice %arg3[%add3A, %add3A_169, %dma_start3A_174] : memref<32x100x100xi32, #tpu.memory_space<hbm>> -> memref<1x1x100xi32, #tpu.memory_space<hbm>>
        %dma_start3A_176 = tpu.memref_squeeze %dma_start3A_175 : memref<1x1x100xi32, #tpu.memory_space<hbm>> -> memref<100xi32, #tpu.memory_space<hbm>>
        %dma_start3A_177 = arith.constant 0 : i32
        %dma_start3A_178 = tpu.memref_slice %arg7[%dma_start3A_170, %dma_start3A_177] : memref<2x100xi32, #tpu.memory_space<vmem>> -> memref<1x100xi32, #tpu.memory_space<vmem>>
        %dma_start3A_179 = tpu.memref_squeeze %dma_start3A_178 : memref<1x100xi32, #tpu.memory_space<vmem>> -> memref<100xi32, #tpu.memory_space<vmem>>
        %dma_start3A_180 = arith.constant 0 : i32
        %dma_start3A_181 = tpu.memref_slice %arg3[%add3A, %add3A_169, %dma_start3A_180] : memref<32x100x100xi32, #tpu.memory_space<hbm>> -> memref<1x1x100xi32, #tpu.memory_space<hbm>>
        %dma_start3A_182 = tpu.memref_squeeze %dma_start3A_181 : memref<1x1x100xi32, #tpu.memory_space<hbm>> -> memref<100xi32, #tpu.memory_space<hbm>>
        tpu.enqueue_dma source(%dma_start3A_182 : memref<100xi32, #tpu.memory_space<hbm>>) target(%dma_start3A_179 : memref<100xi32, #tpu.memory_space<vmem>>) target_semaphore(%arg11 : memref<!tpu.dma_semaphore, #tpu.memory_space<semaphore_mem>>)
      } else {
      }
      %ge3A = arith.constant 1 : i32
      %ge3A_111 = arith.cmpi sge, %add3A_83, %ge3A : i32
      %convert_element_type3A_112 = arith.extui %ge3A_111 : i1 to i32
      %cond3A_113 = arith.constant 0 : i32
      %cond3A_114 = arith.cmpi ne, %convert_element_type3A_112, %cond3A_113 : i32
      scf.if %cond3A_114 {
        %sub3A = arith.constant 1 : i32
        %sub3A_168 = arith.subi %add3A_83, %sub3A : i32
        %dma_wait3A_169 = arith.constant 1 : i32
        %dma_wait3A_170 = arith.constant 0 : i32
        %dma_wait3A_171 = arith.constant 0 : i32
        %dma_wait3A_172 = tpu.memref_slice %arg9[%dma_wait3A_169, %dma_wait3A_170, %dma_wait3A_171] : memref<2x100x128xf32, #tpu.memory_space<vmem>> -> memref<1x100x128xf32, #tpu.memory_space<vmem>>
        %dma_wait3A_173 = tpu.memref_squeeze %dma_wait3A_172 : memref<1x100x128xf32, #tpu.memory_space<vmem>> -> memref<100x128xf32, #tpu.memory_space<vmem>>
        %dma_wait3A_174 = arith.constant 0 : i32
        %dma_wait3A_175 = tpu.memref_slice %arg8[%sub3A_168, %dma_wait3A_174] : memref<100x100xi32, #tpu.memory_space<vmem>> -> memref<1x100xi32, #tpu.memory_space<vmem>>
        %dma_wait3A_176 = tpu.memref_squeeze %dma_wait3A_175 : memref<1x100xi32, #tpu.memory_space<vmem>> -> memref<100xi32, #tpu.memory_space<vmem>>
        %dma_wait3A_177 = arith.constant 0 : i32
        %dma_wait3A_178 = arith.constant 0 : i32
        %dma_wait3A_179 = tpu.memref_slice %arg10[%dma_wait3A_177, %dma_wait3A_178] : memref<10000x128xf32, #tpu.memory_space<vmem_shared>> -> memref<10000x128xf32, #tpu.memory_space<vmem_shared>>
        tpu.wait_indirect_dma semaphore(%arg16 : memref<!tpu.dma_semaphore, #tpu.memory_space<semaphore_mem>>) src(%dma_wait3A_173 : memref<100x128xf32, #tpu.memory_space<vmem>>) dst(%dma_wait3A_179 : memref<10000x128xf32, #tpu.memory_space<vmem_shared>>)
      } else {
      }
      %add3A_115 = arith.constant 1 : i32
      %add3A_116 = arith.addi %add3A_83, %add3A_115 : i32
      %lt3A_117 = arith.constant 100 : i32
      %lt3A_118 = arith.cmpi slt, %add3A_116, %lt3A_117 : i32
      %convert_element_type3A_119 = arith.extui %lt3A_118 : i1 to i32
      %cond3A_120 = arith.constant 0 : i32
      %cond3A_121 = arith.cmpi ne, %convert_element_type3A_119, %cond3A_120 : i32
      scf.if %cond3A_121 {
        %add3A_168 = arith.constant 1 : i32
        %add3A_169 = arith.addi %add3A_83, %add3A_168 : i32
        %dma_wait3A_170 = arith.constant 1 : i32
        %dma_wait3A_171 = arith.constant 0 : i32
        %dma_wait3A_172 = tpu.memref_slice %arg7[%dma_wait3A_170, %dma_wait3A_171] : memref<2x100xi32, #tpu.memory_space<vmem>> -> memref<1x100xi32, #tpu.memory_space<vmem>>
        %dma_wait3A_173 = tpu.memref_squeeze %dma_wait3A_172 : memref<1x100xi32, #tpu.memory_space<vmem>> -> memref<100xi32, #tpu.memory_space<vmem>>
        %dma_wait3A_174 = arith.constant 0 : i32
        %dma_wait3A_175 = tpu.memref_slice %arg3[%add3A, %add3A_169, %dma_wait3A_174] : memref<32x100x100xi32, #tpu.memory_space<hbm>> -> memref<1x1x100xi32, #tpu.memory_space<hbm>>
        %dma_wait3A_176 = tpu.memref_squeeze %dma_wait3A_175 : memref<1x1x100xi32, #tpu.memory_space<hbm>> -> memref<100xi32, #tpu.memory_space<hbm>>
        %dma_wait3A_177 = arith.constant 0 : i32
        %dma_wait3A_178 = tpu.memref_slice %arg7[%dma_wait3A_170, %dma_wait3A_177] : memref<2x100xi32, #tpu.memory_space<vmem>> -> memref<1x100xi32, #tpu.memory_space<vmem>>
        %dma_wait3A_179 = tpu.memref_squeeze %dma_wait3A_178 : memref<1x100xi32, #tpu.memory_space<vmem>> -> memref<100xi32, #tpu.memory_space<vmem>>
        %dma_wait3A_180 = arith.constant 0 : i32
        %dma_wait3A_181 = tpu.memref_slice %arg3[%add3A, %add3A_169, %dma_wait3A_180] : memref<32x100x100xi32, #tpu.memory_space<hbm>> -> memref<1x1x100xi32, #tpu.memory_space<hbm>>
        %dma_wait3A_182 = tpu.memref_squeeze %dma_wait3A_181 : memref<1x1x100xi32, #tpu.memory_space<hbm>> -> memref<100xi32, #tpu.memory_space<hbm>>
        tpu.wait_dma2 semaphore(%arg12 : memref<!tpu.dma_semaphore, #tpu.memory_space<semaphore_mem>>) src(%dma_wait3A_182 : memref<100xi32, #tpu.memory_space<hbm>>) dst(%dma_wait3A_179 : memref<100xi32, #tpu.memory_space<vmem>>)
        %dma_start3A_183 = arith.constant 1 : i32
        %dma_start3A_184 = arith.constant 1 : i32
        %dma_start3A_185 = arith.constant 0 : i32
        %dma_start3A_186 = arith.constant 0 : i32
        %dma_start3A_187 = tpu.memref_slice %arg9[%dma_start3A_184, %dma_start3A_185, %dma_start3A_186] : memref<2x100x128xf32, #tpu.memory_space<vmem>> -> memref<1x100x128xf32, #tpu.memory_space<vmem>>
        %dma_start3A_188 = tpu.memref_squeeze %dma_start3A_187 : memref<1x100x128xf32, #tpu.memory_space<vmem>> -> memref<100x128xf32, #tpu.memory_space<vmem>>
        %dma_start3A_189 = arith.constant 0 : i32
        %dma_start3A_190 = tpu.memref_slice %arg7[%dma_start3A_183, %dma_start3A_189] : memref<2x100xi32, #tpu.memory_space<vmem>> -> memref<1x100xi32, #tpu.memory_space<vmem>>
        %dma_start3A_191 = tpu.memref_squeeze %dma_start3A_190 : memref<1x100xi32, #tpu.memory_space<vmem>> -> memref<100xi32, #tpu.memory_space<vmem>>
        %dma_start3A_192 = arith.constant 0 : i32
        %dma_start3A_193 = arith.constant 0 : i32
        %dma_start3A_194 = tpu.memref_slice %arg2[%dma_start3A_192, %dma_start3A_193] : memref<10000x128xf32, #tpu.memory_space<hbm>> -> memref<10000x128xf32, #tpu.memory_space<hbm>>
        tpu.enqueue_indirect_dma source(%dma_start3A_194 : memref<10000x128xf32, #tpu.memory_space<hbm>>) target(%dma_start3A_188 : memref<100x128xf32, #tpu.memory_space<vmem>>) offsets(%dma_start3A_191 : memref<100xi32, #tpu.memory_space<vmem>>) semaphore(%arg14 : memref<!tpu.dma_semaphore, #tpu.memory_space<semaphore_mem>>)
      } else {
      }
      %mul3A_122 = arith.constant 2 : i32
      %mul3A_123 = arith.muli %mul3A_122, %scan3A_79 : i32
      %add3A_124 = arith.constant 1 : i32
      %add3A_125 = arith.addi %mul3A_123, %add3A_124 : i32
      %dma_wait3A_126 = arith.constant 1 : i32
      %dma_wait3A_127 = arith.constant 1 : i32
      %dma_wait3A_128 = arith.constant 0 : i32
      %dma_wait3A_129 = arith.constant 0 : i32
      %dma_wait3A_130 = tpu.memref_slice %arg9[%dma_wait3A_127, %dma_wait3A_128, %dma_wait3A_129] : memref<2x100x128xf32, #tpu.memory_space<vmem>> -> memref<1x100x128xf32, #tpu.memory_space<vmem>>
      %dma_wait3A_131 = tpu.memref_squeeze %dma_wait3A_130 : memref<1x100x128xf32, #tpu.memory_space<vmem>> -> memref<100x128xf32, #tpu.memory_space<vmem>>
      %dma_wait3A_132 = arith.constant 0 : i32
      %dma_wait3A_133 = tpu.memref_slice %arg7[%dma_wait3A_126, %dma_wait3A_132] : memref<2x100xi32, #tpu.memory_space<vmem>> -> memref<1x100xi32, #tpu.memory_space<vmem>>
      %dma_wait3A_134 = tpu.memref_squeeze %dma_wait3A_133 : memref<1x100xi32, #tpu.memory_space<vmem>> -> memref<100xi32, #tpu.memory_space<vmem>>
      %dma_wait3A_135 = arith.constant 0 : i32
      %dma_wait3A_136 = arith.constant 0 : i32
      %dma_wait3A_137 = tpu.memref_slice %arg2[%dma_wait3A_135, %dma_wait3A_136] : memref<10000x128xf32, #tpu.memory_space<hbm>> -> memref<10000x128xf32, #tpu.memory_space<hbm>>
      tpu.wait_indirect_dma semaphore(%arg14 : memref<!tpu.dma_semaphore, #tpu.memory_space<semaphore_mem>>) src(%dma_wait3A_137 : memref<10000x128xf32, #tpu.memory_space<hbm>>) dst(%dma_wait3A_131 : memref<100x128xf32, #tpu.memory_space<vmem>>)
      %dma_start3A_138 = arith.constant 1 : i32
      %dma_start3A_139 = arith.constant 0 : i32
      %dma_start3A_140 = arith.constant 0 : i32
      %dma_start3A_141 = tpu.memref_slice %arg9[%dma_start3A_138, %dma_start3A_139, %dma_start3A_140] : memref<2x100x128xf32, #tpu.memory_space<vmem>> -> memref<1x100x128xf32, #tpu.memory_space<vmem>>
      %dma_start3A_142 = tpu.memref_squeeze %dma_start3A_141 : memref<1x100x128xf32, #tpu.memory_space<vmem>> -> memref<100x128xf32, #tpu.memory_space<vmem>>
      %dma_start3A_143 = arith.constant 0 : i32
      %dma_start3A_144 = tpu.memref_slice %arg8[%add3A_125, %dma_start3A_143] : memref<100x100xi32, #tpu.memory_space<vmem>> -> memref<1x100xi32, #tpu.memory_space<vmem>>
      %dma_start3A_145 = tpu.memref_squeeze %dma_start3A_144 : memref<1x100xi32, #tpu.memory_space<vmem>> -> memref<100xi32, #tpu.memory_space<vmem>>
      %dma_start3A_146 = arith.constant 0 : i32
      %dma_start3A_147 = arith.constant 0 : i32
      %dma_start3A_148 = tpu.memref_slice %arg10[%dma_start3A_146, %dma_start3A_147] : memref<10000x128xf32, #tpu.memory_space<vmem_shared>> -> memref<10000x128xf32, #tpu.memory_space<vmem_shared>>
      tpu.enqueue_indirect_dma source(%dma_start3A_142 : memref<100x128xf32, #tpu.memory_space<vmem>>) target(%dma_start3A_148 : memref<10000x128xf32, #tpu.memory_space<vmem_shared>>) offsets(%dma_start3A_145 : memref<100xi32, #tpu.memory_space<vmem>>) semaphore(%arg16 : memref<!tpu.dma_semaphore, #tpu.memory_space<semaphore_mem>>) {add = true}
      %add3A_149 = arith.constant 2 : i32
      %add3A_150 = arith.addi %add3A_125, %add3A_149 : i32
      %lt3A_151 = arith.constant 100 : i32
      %lt3A_152 = arith.cmpi slt, %add3A_150, %lt3A_151 : i32
      %convert_element_type3A_153 = arith.extui %lt3A_152 : i1 to i32
      %cond3A_154 = arith.constant 0 : i32
      %cond3A_155 = arith.cmpi ne, %convert_element_type3A_153, %cond3A_154 : i32
      scf.if %cond3A_155 {
        %add3A_168 = arith.constant 2 : i32
        %add3A_169 = arith.addi %add3A_125, %add3A_168 : i32
        %dma_start3A_170 = arith.constant 1 : i32
        %dma_start3A_171 = arith.constant 0 : i32
        %dma_start3A_172 = tpu.memref_slice %arg7[%dma_start3A_170, %dma_start3A_171] : memref<2x100xi32, #tpu.memory_space<vmem>> -> memref<1x100xi32, #tpu.memory_space<vmem>>
        %dma_start3A_173 = tpu.memref_squeeze %dma_start3A_172 : memref<1x100xi32, #tpu.memory_space<vmem>> -> memref<100xi32, #tpu.memory_space<vmem>>
        %dma_start3A_174 = arith.constant 0 : i32
        %dma_start3A_175 = tpu.memref_slice %arg3[%add3A, %add3A_169, %dma_start3A_174] : memref<32x100x100xi32, #tpu.memory_space<hbm>> -> memref<1x1x100xi32, #tpu.memory_space<hbm>>
        %dma_start3A_176 = tpu.memref_squeeze %dma_start3A_175 : memref<1x1x100xi32, #tpu.memory_space<hbm>> -> memref<100xi32, #tpu.memory_space<hbm>>
        %dma_start3A_177 = arith.constant 0 : i32
        %dma_start3A_178 = tpu.memref_slice %arg7[%dma_start3A_170, %dma_start3A_177] : memref<2x100xi32, #tpu.memory_space<vmem>> -> memref<1x100xi32, #tpu.memory_space<vmem>>
        %dma_start3A_179 = tpu.memref_squeeze %dma_start3A_178 : memref<1x100xi32, #tpu.memory_space<vmem>> -> memref<100xi32, #tpu.memory_space<vmem>>
        %dma_start3A_180 = arith.constant 0 : i32
        %dma_start3A_181 = tpu.memref_slice %arg3[%add3A, %add3A_169, %dma_start3A_180] : memref<32x100x100xi32, #tpu.memory_space<hbm>> -> memref<1x1x100xi32, #tpu.memory_space<hbm>>
        %dma_start3A_182 = tpu.memref_squeeze %dma_start3A_181 : memref<1x1x100xi32, #tpu.memory_space<hbm>> -> memref<100xi32, #tpu.memory_space<hbm>>
        tpu.enqueue_dma source(%dma_start3A_182 : memref<100xi32, #tpu.memory_space<hbm>>) target(%dma_start3A_179 : memref<100xi32, #tpu.memory_space<vmem>>) target_semaphore(%arg12 : memref<!tpu.dma_semaphore, #tpu.memory_space<semaphore_mem>>)
      } else {
      }
      %ge3A_156 = arith.constant 1 : i32
      %ge3A_157 = arith.cmpi sge, %add3A_125, %ge3A_156 : i32
      %convert_element_type3A_158 = arith.extui %ge3A_157 : i1 to i32
      %cond3A_159 = arith.constant 0 : i32
      %cond3A_160 = arith.cmpi ne, %convert_element_type3A_158, %cond3A_159 : i32
      scf.if %cond3A_160 {
        %sub3A = arith.constant 1 : i32
        %sub3A_168 = arith.subi %add3A_125, %sub3A : i32
        %dma_wait3A_169 = arith.constant 0 : i32
        %dma_wait3A_170 = arith.constant 0 : i32
        %dma_wait3A_171 = arith.constant 0 : i32
        %dma_wait3A_172 = tpu.memref_slice %arg9[%dma_wait3A_169, %dma_wait3A_170, %dma_wait3A_171] : memref<2x100x128xf32, #tpu.memory_space<vmem>> -> memref<1x100x128xf32, #tpu.memory_space<vmem>>
        %dma_wait3A_173 = tpu.memref_squeeze %dma_wait3A_172 : memref<1x100x128xf32, #tpu.memory_space<vmem>> -> memref<100x128xf32, #tpu.memory_space<vmem>>
        %dma_wait3A_174 = arith.constant 0 : i32
        %dma_wait3A_175 = tpu.memref_slice %arg8[%sub3A_168, %dma_wait3A_174] : memref<100x100xi32, #tpu.memory_space<vmem>> -> memref<1x100xi32, #tpu.memory_space<vmem>>
        %dma_wait3A_176 = tpu.memref_squeeze %dma_wait3A_175 : memref<1x100xi32, #tpu.memory_space<vmem>> -> memref<100xi32, #tpu.memory_space<vmem>>
        %dma_wait3A_177 = arith.constant 0 : i32
        %dma_wait3A_178 = arith.constant 0 : i32
        %dma_wait3A_179 = tpu.memref_slice %arg10[%dma_wait3A_177, %dma_wait3A_178] : memref<10000x128xf32, #tpu.memory_space<vmem_shared>> -> memref<10000x128xf32, #tpu.memory_space<vmem_shared>>
        tpu.wait_indirect_dma semaphore(%arg15 : memref<!tpu.dma_semaphore, #tpu.memory_space<semaphore_mem>>) src(%dma_wait3A_173 : memref<100x128xf32, #tpu.memory_space<vmem>>) dst(%dma_wait3A_179 : memref<10000x128xf32, #tpu.memory_space<vmem_shared>>)
      } else {
      }
      %add3A_161 = arith.constant 1 : i32
      %add3A_162 = arith.addi %add3A_125, %add3A_161 : i32
      %lt3A_163 = arith.constant 100 : i32
      %lt3A_164 = arith.cmpi slt, %add3A_162, %lt3A_163 : i32
      %convert_element_type3A_165 = arith.extui %lt3A_164 : i1 to i32
      %cond3A_166 = arith.constant 0 : i32
      %cond3A_167 = arith.cmpi ne, %convert_element_type3A_165, %cond3A_166 : i32
      scf.if %cond3A_167 {
        %add3A_168 = arith.constant 1 : i32
        %add3A_169 = arith.addi %add3A_125, %add3A_168 : i32
        %dma_wait3A_170 = arith.constant 0 : i32
        %dma_wait3A_171 = arith.constant 0 : i32
        %dma_wait3A_172 = tpu.memref_slice %arg7[%dma_wait3A_170, %dma_wait3A_171] : memref<2x100xi32, #tpu.memory_space<vmem>> -> memref<1x100xi32, #tpu.memory_space<vmem>>
        %dma_wait3A_173 = tpu.memref_squeeze %dma_wait3A_172 : memref<1x100xi32, #tpu.memory_space<vmem>> -> memref<100xi32, #tpu.memory_space<vmem>>
        %dma_wait3A_174 = arith.constant 0 : i32
        %dma_wait3A_175 = tpu.memref_slice %arg3[%add3A, %add3A_169, %dma_wait3A_174] : memref<32x100x100xi32, #tpu.memory_space<hbm>> -> memref<1x1x100xi32, #tpu.memory_space<hbm>>
        %dma_wait3A_176 = tpu.memref_squeeze %dma_wait3A_175 : memref<1x1x100xi32, #tpu.memory_space<hbm>> -> memref<100xi32, #tpu.memory_space<hbm>>
        %dma_wait3A_177 = arith.constant 0 : i32
        %dma_wait3A_178 = tpu.memref_slice %arg7[%dma_wait3A_170, %dma_wait3A_177] : memref<2x100xi32, #tpu.memory_space<vmem>> -> memref<1x100xi32, #tpu.memory_space<vmem>>
        %dma_wait3A_179 = tpu.memref_squeeze %dma_wait3A_178 : memref<1x100xi32, #tpu.memory_space<vmem>> -> memref<100xi32, #tpu.memory_space<vmem>>
        %dma_wait3A_180 = arith.constant 0 : i32
        %dma_wait3A_181 = tpu.memref_slice %arg3[%add3A, %add3A_169, %dma_wait3A_180] : memref<32x100x100xi32, #tpu.memory_space<hbm>> -> memref<1x1x100xi32, #tpu.memory_space<hbm>>
        %dma_wait3A_182 = tpu.memref_squeeze %dma_wait3A_181 : memref<1x1x100xi32, #tpu.memory_space<hbm>> -> memref<100xi32, #tpu.memory_space<hbm>>
        tpu.wait_dma2 semaphore(%arg11 : memref<!tpu.dma_semaphore, #tpu.memory_space<semaphore_mem>>) src(%dma_wait3A_182 : memref<100xi32, #tpu.memory_space<hbm>>) dst(%dma_wait3A_179 : memref<100xi32, #tpu.memory_space<vmem>>)
        %dma_start3A_183 = arith.constant 0 : i32
        %dma_start3A_184 = arith.constant 0 : i32
        %dma_start3A_185 = arith.constant 0 : i32
        %dma_start3A_186 = arith.constant 0 : i32
        %dma_start3A_187 = tpu.memref_slice %arg9[%dma_start3A_184, %dma_start3A_185, %dma_start3A_186] : memref<2x100x128xf32, #tpu.memory_space<vmem>> -> memref<1x100x128xf32, #tpu.memory_space<vmem>>
        %dma_start3A_188 = tpu.memref_squeeze %dma_start3A_187 : memref<1x100x128xf32, #tpu.memory_space<vmem>> -> memref<100x128xf32, #tpu.memory_space<vmem>>
        %dma_start3A_189 = arith.constant 0 : i32
        %dma_start3A_190 = tpu.memref_slice %arg7[%dma_start3A_183, %dma_start3A_189] : memref<2x100xi32, #tpu.memory_space<vmem>> -> memref<1x100xi32, #tpu.memory_space<vmem>>
        %dma_start3A_191 = tpu.memref_squeeze %dma_start3A_190 : memref<1x100xi32, #tpu.memory_space<vmem>> -> memref<100xi32, #tpu.memory_space<vmem>>
        %dma_start3A_192 = arith.constant 0 : i32
        %dma_start3A_193 = arith.constant 0 : i32
        %dma_start3A_194 = tpu.memref_slice %arg2[%dma_start3A_192, %dma_start3A_193] : memref<10000x128xf32, #tpu.memory_space<hbm>> -> memref<10000x128xf32, #tpu.memory_space<hbm>>
        tpu.enqueue_indirect_dma source(%dma_start3A_194 : memref<10000x128xf32, #tpu.memory_space<hbm>>) target(%dma_start3A_188 : memref<100x128xf32, #tpu.memory_space<vmem>>) offsets(%dma_start3A_191 : memref<100xi32, #tpu.memory_space<vmem>>) semaphore(%arg13 : memref<!tpu.dma_semaphore, #tpu.memory_space<semaphore_mem>>)
      } else {
      }
    }
    %scan3A_61 = arith.constant 50 : i32
    %dma_wait3A_62 = arith.constant 1 : i32
    %dma_wait3A_63 = arith.constant 99 : i32
    %dma_wait3A_64 = arith.constant 0 : i32
    %dma_wait3A_65 = arith.constant 0 : i32
    %dma_wait3A_66 = tpu.memref_slice %arg9[%dma_wait3A_62, %dma_wait3A_64, %dma_wait3A_65] : memref<2x100x128xf32, #tpu.memory_space<vmem>> -> memref<1x100x128xf32, #tpu.memory_space<vmem>>
    %dma_wait3A_67 = tpu.memref_squeeze %dma_wait3A_66 : memref<1x100x128xf32, #tpu.memory_space<vmem>> -> memref<100x128xf32, #tpu.memory_space<vmem>>
    %dma_wait3A_68 = arith.constant 0 : i32
    %dma_wait3A_69 = tpu.memref_slice %arg8[%dma_wait3A_63, %dma_wait3A_68] : memref<100x100xi32, #tpu.memory_space<vmem>> -> memref<1x100xi32, #tpu.memory_space<vmem>>
    %dma_wait3A_70 = tpu.memref_squeeze %dma_wait3A_69 : memref<1x100xi32, #tpu.memory_space<vmem>> -> memref<100xi32, #tpu.memory_space<vmem>>
    %dma_wait3A_71 = arith.constant 0 : i32
    %dma_wait3A_72 = arith.constant 0 : i32
    %dma_wait3A_73 = tpu.memref_slice %arg10[%dma_wait3A_71, %dma_wait3A_72] : memref<10000x128xf32, #tpu.memory_space<vmem_shared>> -> memref<10000x128xf32, #tpu.memory_space<vmem_shared>>
    tpu.wait_indirect_dma semaphore(%arg16 : memref<!tpu.dma_semaphore, #tpu.memory_space<semaphore_mem>>) src(%dma_wait3A_67 : memref<100x128xf32, #tpu.memory_space<vmem>>) dst(%dma_wait3A_73 : memref<10000x128xf32, #tpu.memory_space<vmem_shared>>)
    %barrier3A_74 = arith.constant 0 : index
    tpu.barrier barrier_id(%barrier3A_74)
    %mul3A_75 = arith.constant 625 : i32
    %mul3A_76 = arith.muli %arg1, %mul3A_75 : i32
    %mul3A_77 = arith.constant 625 : i32
    %mul3A_78 = arith.muli %arg1, %mul3A_77 : i32
    "tpu.region"() ({
      %run_scoped3A = tpu.sem_alloc : memref<!tpu.dma_semaphore, #tpu.memory_space<semaphore_mem>>
      %dma_start3A_79 = arith.constant 0 : i32
      %dma_start3A_80 = tpu.memref_slice %arg6[%arg0, %mul3A_78, %dma_start3A_79] : memref<2x10000x128xf32, #tpu.memory_space<hbm>> -> memref<1x625x128xf32, #tpu.memory_space<hbm>>
      %dma_start3A_81 = tpu.memref_squeeze %dma_start3A_80 : memref<1x625x128xf32, #tpu.memory_space<hbm>> -> memref<625x128xf32, #tpu.memory_space<hbm>>
      %dma_start3A_82 = arith.constant 0 : i32
      %dma_start3A_83 = tpu.memref_slice %arg10[%mul3A_76, %dma_start3A_82] : memref<10000x128xf32, #tpu.memory_space<vmem_shared>> -> memref<625x128xf32, #tpu.memory_space<vmem_shared>>
      tpu.enqueue_dma source(%dma_start3A_83 : memref<625x128xf32, #tpu.memory_space<vmem_shared>>) target(%dma_start3A_81 : memref<625x128xf32, #tpu.memory_space<hbm>>) target_semaphore(%run_scoped3A : memref<!tpu.dma_semaphore, #tpu.memory_space<semaphore_mem>>)
      %dma_wait3A_84 = arith.constant 0 : i32
      %dma_wait3A_85 = tpu.memref_slice %arg6[%arg0, %mul3A_78, %dma_wait3A_84] : memref<2x10000x128xf32, #tpu.memory_space<hbm>> -> memref<1x625x128xf32, #tpu.memory_space<hbm>>
      %dma_wait3A_86 = tpu.memref_squeeze %dma_wait3A_85 : memref<1x625x128xf32, #tpu.memory_space<hbm>> -> memref<625x128xf32, #tpu.memory_space<hbm>>
      %dma_wait3A_87 = arith.constant 0 : i32
      %dma_wait3A_88 = tpu.memref_slice %arg10[%mul3A_76, %dma_wait3A_87] : memref<10000x128xf32, #tpu.memory_space<vmem_shared>> -> memref<625x128xf32, #tpu.memory_space<vmem_shared>>
      tpu.wait_dma2 semaphore(%run_scoped3A : memref<!tpu.dma_semaphore, #tpu.memory_space<semaphore_mem>>) src(%dma_wait3A_88 : memref<625x128xf32, #tpu.memory_space<vmem_shared>>) dst(%dma_wait3A_86 : memref<625x128xf32, #tpu.memory_space<hbm>>)
      tpu.yield
    }) : () -> ()
    return
  }
}

module attributes {stable_mosaic.version = 14 : i64} {
  func.func @_tc1_body(%arg0: i32, %arg1: memref<1000x128xf32, #tpu.memory_space<vmem>>, %arg2: memref<2x1000x144xf32, #tpu.memory_space<vmem>>, %arg3: memref<128x128xf32, #tpu.memory_space<vmem>>, %arg4: memref<128x128xf32, #tpu.memory_space<vmem>>, %arg5: memref<1x128xf32, #tpu.memory_space<vmem>>, %arg6: memref<1000x128xf32, #tpu.memory_space<vmem>>, %arg7: memref<1000x1xf32, #tpu.memory_space<vmem>>) attributes {dimension_semantics = [#tpu.dimension_semantics<arbitrary>], iteration_bounds = array<i64: 10>, scalar_prefetch = 0 : i64, scratch_operands = 0 : i64, tpu.core_type = #tpu.core_type<tc>, window_params = [{transform_indices = @transform_0, window_bounds = array<i64: 1000, 128>}, {transform_indices = @transform_1, window_bounds = array<i64: 2, 1000, 144>}, {pipeline_mode = #tpu.pipeline_mode<synchronous>, transform_indices = @transform_2, window_bounds = array<i64: 128, 128>}, {pipeline_mode = #tpu.pipeline_mode<synchronous>, transform_indices = @transform_3, window_bounds = array<i64: 128, 128>}, {pipeline_mode = #tpu.pipeline_mode<synchronous>, transform_indices = @transform_4, window_bounds = array<i64: 1, 128>}, {transform_indices = @transform_5, window_bounds = array<i64: 1000, 128>}, {transform_indices = @transform_6, window_bounds = array<i64: 1000, 1>}]} {
    %get3A = arith.constant 0 : index
    %get3A_0 = arith.constant 0 : index
    %get3A_1 = arith.constant 0 : index
    %get3A_2 = vector.load %arg2[%get3A, %get3A_0, %get3A_1] : memref<2x1000x144xf32, #tpu.memory_space<vmem>>, vector<1x1000x144xf32>
    %get3A_3 = vector.shape_cast %get3A_2 : vector<1x1000x144xf32> to vector<1000x144xf32>
    %get3A_4 = arith.constant 1 : index
    %get3A_5 = arith.constant 0 : index
    %get3A_6 = arith.constant 0 : index
    %get3A_7 = vector.load %arg2[%get3A_4, %get3A_5, %get3A_6] : memref<2x1000x144xf32, #tpu.memory_space<vmem>>, vector<1x1000x144xf32>
    %get3A_8 = vector.shape_cast %get3A_7 : vector<1x1000x144xf32> to vector<1000x144xf32>
    %add3A = arith.addf %get3A_3, %get3A_8 : vector<1000x144xf32>
    %slice3A = vector.extract_strided_slice %add3A {offsets = [0, 128], sizes = [1000, 1], strides = [1, 1]} : vector<1000x144xf32> to vector<1000x1xf32>
    %max3A = arith.constant 1.000000e+00 : f32
    %max3A_9 = vector.broadcast %max3A : f32 to vector<1000x1xf32>
    %max3A_10 = arith.maximumf %slice3A, %max3A_9 : vector<1000x1xf32>
    %div3A = arith.constant 1.000000e+00 : f32
    %div3A_11 = vector.broadcast %div3A : f32 to vector<1000x1xf32>
    %div3A_12 = arith.divf %div3A_11, %max3A_10 : vector<1000x1xf32>
    %slice3A_13 = vector.extract_strided_slice %add3A {offsets = [0, 0], sizes = [1000, 128], strides = [1, 1]} : vector<1000x144xf32> to vector<1000x128xf32>
    %mul3A = vector.broadcast %div3A_12 : vector<1000x1xf32> to vector<1000x128xf32>
    %mul3A_14 = arith.mulf %slice3A_13, %mul3A : vector<1000x128xf32>
    %get3A_15 = arith.constant 0 : index
    %get3A_16 = arith.constant 0 : index
    %get3A_17 = vector.load %arg3[%get3A_15, %get3A_16] : memref<128x128xf32, #tpu.memory_space<vmem>>, vector<128x128xf32>
    %dot_general3A = arith.constant dense<0.000000e+00> : vector<1000x128xf32>
    %dot_general3A_18 = tpu.matmul %mul3A_14, %get3A_17, %dot_general3A {dimension_numbers = #tpu.dot_dimension_numbers<[1], [1], [0], [0], [0, 0, 1, 0], [], []>, transpose_lhs_hint = false} : vector<1000x128xf32>, vector<128x128xf32>, vector<1000x128xf32> -> vector<1000x128xf32>
    %get3A_19 = arith.constant 0 : index
    %get3A_20 = arith.constant 0 : index
    %get3A_21 = vector.load %arg1[%get3A_19, %get3A_20] : memref<1000x128xf32, #tpu.memory_space<vmem>>, vector<1000x128xf32>
    %get3A_22 = arith.constant 0 : index
    %get3A_23 = arith.constant 0 : index
    %get3A_24 = vector.load %arg4[%get3A_22, %get3A_23] : memref<128x128xf32, #tpu.memory_space<vmem>>, vector<128x128xf32>
    %dot_general3A_25 = arith.constant dense<0.000000e+00> : vector<1000x128xf32>
    %dot_general3A_26 = tpu.matmul %get3A_21, %get3A_24, %dot_general3A_25 {dimension_numbers = #tpu.dot_dimension_numbers<[1], [1], [0], [0], [0, 0, 1, 0], [], []>, transpose_lhs_hint = false} : vector<1000x128xf32>, vector<128x128xf32>, vector<1000x128xf32> -> vector<1000x128xf32>
    %add3A_27 = arith.addf %dot_general3A_18, %dot_general3A_26 : vector<1000x128xf32>
    %get3A_28 = arith.constant 0 : index
    %get3A_29 = arith.constant 0 : index
    %get3A_30 = vector.load %arg5[%get3A_28, %get3A_29] : memref<1x128xf32, #tpu.memory_space<vmem>>, vector<1x128xf32>
    %add3A_31 = vector.broadcast %get3A_30 : vector<1x128xf32> to vector<1000x128xf32>
    %add3A_32 = arith.addf %add3A_27, %add3A_31 : vector<1000x128xf32>
    %gt3A = arith.constant 0.000000e+00 : f32
    %gt3A_33 = vector.broadcast %gt3A : f32 to vector<1000x128xf32>
    %gt3A_34 = arith.cmpf ogt, %add3A_32, %gt3A_33 : vector<1000x128xf32>
    %mul3A_35 = arith.constant 2.000000e-01 : f32
    %mul3A_36 = vector.broadcast %mul3A_35 : f32 to vector<1000x128xf32>
    %mul3A_37 = arith.mulf %mul3A_36, %add3A_32 : vector<1000x128xf32>
    %select_n3A = arith.select %gt3A_34, %add3A_32, %mul3A_37 : vector<1000x128xi1>, vector<1000x128xf32>
    %swap3A = arith.constant 0 : index
    %swap3A_38 = arith.constant 0 : index
    %swap3A_39 = vector.load %arg6[%swap3A, %swap3A_38] : memref<1000x128xf32, #tpu.memory_space<vmem>>, vector<1000x128xf32>
    tpu.vector_store %arg6[%swap3A, %swap3A_38], %select_n3A {strides = array<i32>} : memref<1000x128xf32, #tpu.memory_space<vmem>>, vector<1000x128xf32>,
    %swap3A_40 = arith.constant 0 : index
    %swap3A_41 = arith.constant 0 : index
    %swap3A_42 = vector.load %arg7[%swap3A_40, %swap3A_41] : memref<1000x1xf32, #tpu.memory_space<vmem>>, vector<1000x1xf32>
    tpu.vector_store %arg7[%swap3A_40, %swap3A_41], %div3A_12 {strides = array<i32>} : memref<1000x1xf32, #tpu.memory_space<vmem>>, vector<1000x1xf32>,
    return
  }
  func.func @transform_0(%arg0: i32) -> (i32, i32) {
    %c0_i32 = arith.constant 0 : i32
    %c0_i32_0 = arith.constant 0 : i32
    return %arg0, %c0_i32 : i32, i32
  }
  func.func @transform_1(%arg0: i32) -> (i32, i32, i32) {
    %c0_i32 = arith.constant 0 : i32
    %c0_i32_0 = arith.constant 0 : i32
    %c0_i32_1 = arith.constant 0 : i32
    return %c0_i32, %arg0, %c0_i32_0 : i32, i32, i32
  }
  func.func @transform_2(%arg0: i32) -> (i32, i32) {
    %c0_i32 = arith.constant 0 : i32
    %c0_i32_0 = arith.constant 0 : i32
    %c0_i32_1 = arith.constant 0 : i32
    return %c0_i32, %c0_i32_0 : i32, i32
  }
  func.func @transform_3(%arg0: i32) -> (i32, i32) {
    %c0_i32 = arith.constant 0 : i32
    %c0_i32_0 = arith.constant 0 : i32
    %c0_i32_1 = arith.constant 0 : i32
    return %c0_i32, %c0_i32_0 : i32, i32
  }
  func.func @transform_4(%arg0: i32) -> (i32, i32) {
    %c0_i32 = arith.constant 0 : i32
    %c0_i32_0 = arith.constant 0 : i32
    %c0_i32_1 = arith.constant 0 : i32
    return %c0_i32, %c0_i32_0 : i32, i32
  }
  func.func @transform_5(%arg0: i32) -> (i32, i32) {
    %c0_i32 = arith.constant 0 : i32
    %c0_i32_0 = arith.constant 0 : i32
    return %arg0, %c0_i32 : i32, i32
  }
  func.func @transform_6(%arg0: i32) -> (i32, i32) {
    %c0_i32 = arith.constant 0 : i32
    %c0_i32_0 = arith.constant 0 : i32
    return %arg0, %c0_i32 : i32, i32
  }
}

module attributes {stable_mosaic.version = 14 : i64} {
  func.func @_tc2_body(%arg0: i32, %arg1: memref<1000x128xf32, #tpu.memory_space<vmem>>, %arg2: memref<2x1000x128xf32, #tpu.memory_space<vmem>>, %arg3: memref<1000x1xf32, #tpu.memory_space<vmem>>, %arg4: memref<1000x1xi32, #tpu.memory_space<vmem>>, %arg5: memref<1x64xf32, #tpu.memory_space<vmem>>, %arg6: memref<128x128xf32, #tpu.memory_space<vmem>>, %arg7: memref<128x128xf32, #tpu.memory_space<vmem>>, %arg8: memref<1x128xf32, #tpu.memory_space<vmem>>, %arg9: memref<16x128xf32, #tpu.memory_space<vmem>>, %arg10: memref<1x16xf32, #tpu.memory_space<vmem>>, %arg11: memref<1x16xf32, #tpu.memory_space<vmem>>, %arg12: memref<1x16xf32, #tpu.memory_space<vmem>>, %arg13: memref<2x16xf32, #tpu.memory_space<vmem>>, %arg14: memref<1x2xf32, #tpu.memory_space<vmem>>, %arg15: memref<64x2xf32, #tpu.memory_space<vmem>>, %arg16: memref<64x128xf32, #tpu.memory_space<vmem>>, %arg17: memref<64x128xf32, #tpu.memory_space<vmem>>) attributes {dimension_semantics = [#tpu.dimension_semantics<arbitrary>], iteration_bounds = array<i64: 10>, scalar_prefetch = 0 : i64, scratch_operands = 2 : i64, tpu.core_type = #tpu.core_type<tc>, window_params = [{transform_indices = @transform_0, window_bounds = array<i64: 1000, 128>}, {transform_indices = @transform_1, window_bounds = array<i64: 2, 1000, 128>}, {transform_indices = @transform_2, window_bounds = array<i64: 1000, 1>}, {transform_indices = @transform_3, window_bounds = array<i64: 1000, 1>}, {pipeline_mode = #tpu.pipeline_mode<synchronous>, transform_indices = @transform_4, window_bounds = array<i64: 1, 64>}, {pipeline_mode = #tpu.pipeline_mode<synchronous>, transform_indices = @transform_5, window_bounds = array<i64: 128, 128>}, {pipeline_mode = #tpu.pipeline_mode<synchronous>, transform_indices = @transform_6, window_bounds = array<i64: 128, 128>}, {pipeline_mode = #tpu.pipeline_mode<synchronous>, transform_indices = @transform_7, window_bounds = array<i64: 1, 128>}, {pipeline_mode = #tpu.pipeline_mode<synchronous>, transform_indices = @transform_8, window_bounds = array<i64: 16, 128>}, {pipeline_mode = #tpu.pipeline_mode<synchronous>, transform_indices = @transform_9, window_bounds = array<i64: 1, 16>}, {pipeline_mode = #tpu.pipeline_mode<synchronous>, transform_indices = @transform_10, window_bounds = array<i64: 1, 16>}, {pipeline_mode = #tpu.pipeline_mode<synchronous>, transform_indices = @transform_11, window_bounds = array<i64: 1, 16>}, {pipeline_mode = #tpu.pipeline_mode<synchronous>, transform_indices = @transform_12, window_bounds = array<i64: 2, 16>}, {pipeline_mode = #tpu.pipeline_mode<synchronous>, transform_indices = @transform_13, window_bounds = array<i64: 1, 2>}, {pipeline_mode = #tpu.pipeline_mode<synchronous>, transform_indices = @transform_14, window_bounds = array<i64: 64, 2>}]} {
    %get3A = arith.constant 0 : index
    %get3A_0 = arith.constant 0 : index
    %get3A_1 = vector.load %arg1[%get3A, %get3A_0] : memref<1000x128xf32, #tpu.memory_space<vmem>>, vector<1000x128xf32>
    %get3A_2 = arith.constant 0 : index
    %get3A_3 = arith.constant 0 : index
    %get3A_4 = arith.constant 0 : index
    %get3A_5 = vector.load %arg2[%get3A_2, %get3A_3, %get3A_4] : memref<2x1000x128xf32, #tpu.memory_space<vmem>>, vector<1x1000x128xf32>
    %get3A_6 = vector.shape_cast %get3A_5 : vector<1x1000x128xf32> to vector<1000x128xf32>
    %get3A_7 = arith.constant 1 : index
    %get3A_8 = arith.constant 0 : index
    %get3A_9 = arith.constant 0 : index
    %get3A_10 = vector.load %arg2[%get3A_7, %get3A_8, %get3A_9] : memref<2x1000x128xf32, #tpu.memory_space<vmem>>, vector<1x1000x128xf32>
    %get3A_11 = vector.shape_cast %get3A_10 : vector<1x1000x128xf32> to vector<1000x128xf32>
    %add3A = arith.addf %get3A_6, %get3A_11 : vector<1000x128xf32>
    %get3A_12 = arith.constant 0 : index
    %get3A_13 = arith.constant 0 : index
    %get3A_14 = vector.load %arg3[%get3A_12, %get3A_13] : memref<1000x1xf32, #tpu.memory_space<vmem>>, vector<1000x1xf32>
    %mul3A = vector.broadcast %get3A_14 : vector<1000x1xf32> to vector<1000x128xf32>
    %mul3A_15 = arith.mulf %add3A, %mul3A : vector<1000x128xf32>
    %get3A_16 = arith.constant 0 : index
    %get3A_17 = arith.constant 0 : index
    %get3A_18 = vector.load %arg6[%get3A_16, %get3A_17] : memref<128x128xf32, #tpu.memory_space<vmem>>, vector<128x128xf32>
    %dot_general3A = arith.constant dense<0.000000e+00> : vector<1000x128xf32>
    %dot_general3A_19 = tpu.matmul %mul3A_15, %get3A_18, %dot_general3A {dimension_numbers = #tpu.dot_dimension_numbers<[1], [1], [0], [0], [0, 0, 1, 0], [], []>, transpose_lhs_hint = false} : vector<1000x128xf32>, vector<128x128xf32>, vector<1000x128xf32> -> vector<1000x128xf32>
    %get3A_20 = arith.constant 0 : index
    %get3A_21 = arith.constant 0 : index
    %get3A_22 = vector.load %arg7[%get3A_20, %get3A_21] : memref<128x128xf32, #tpu.memory_space<vmem>>, vector<128x128xf32>
    %dot_general3A_23 = arith.constant dense<0.000000e+00> : vector<1000x128xf32>
    %dot_general3A_24 = tpu.matmul %get3A_1, %get3A_22, %dot_general3A_23 {dimension_numbers = #tpu.dot_dimension_numbers<[1], [1], [0], [0], [0, 0, 1, 0], [], []>, transpose_lhs_hint = false} : vector<1000x128xf32>, vector<128x128xf32>, vector<1000x128xf32> -> vector<1000x128xf32>
    %add3A_25 = arith.addf %dot_general3A_19, %dot_general3A_24 : vector<1000x128xf32>
    %get3A_26 = arith.constant 0 : index
    %get3A_27 = arith.constant 0 : index
    %get3A_28 = vector.load %arg8[%get3A_26, %get3A_27] : memref<1x128xf32, #tpu.memory_space<vmem>>, vector<1x128xf32>
    %add3A_29 = vector.broadcast %get3A_28 : vector<1x128xf32> to vector<1000x128xf32>
    %add3A_30 = arith.addf %add3A_25, %add3A_29 : vector<1000x128xf32>
    %gt3A = arith.constant 0.000000e+00 : f32
    %gt3A_31 = vector.broadcast %gt3A : f32 to vector<1000x128xf32>
    %gt3A_32 = arith.cmpf ogt, %add3A_30, %gt3A_31 : vector<1000x128xf32>
    %mul3A_33 = arith.constant 2.000000e-01 : f32
    %mul3A_34 = vector.broadcast %mul3A_33 : f32 to vector<1000x128xf32>
    %mul3A_35 = arith.mulf %mul3A_34, %add3A_30 : vector<1000x128xf32>
    %select_n3A = arith.select %gt3A_32, %add3A_30, %mul3A_35 : vector<1000x128xi1>, vector<1000x128xf32>
    %iota3A = tpu.iota {dimensions = array<i32: 1>} : vector<1000x64xi32>
    %get3A_36 = arith.constant 0 : index
    %get3A_37 = arith.constant 0 : index
    %get3A_38 = vector.load %arg4[%get3A_36, %get3A_37] : memref<1000x1xi32, #tpu.memory_space<vmem>>, vector<1000x1xi32>
    %eq3A = vector.broadcast %get3A_38 : vector<1000x1xi32> to vector<1000x64xi32>
    %eq3A_39 = arith.cmpi eq, %eq3A, %iota3A : vector<1000x64xi32>
    %convert_element_type3A = arith.extui %eq3A_39 : vector<1000x64xi1> to vector<1000x64xi32>
    %convert_element_type3A_40 = arith.sitofp %convert_element_type3A : vector<1000x64xi32> to vector<1000x64xf32>
    %get3A_41 = arith.constant 0 : index
    %get3A_42 = arith.constant 0 : index
    %get3A_43 = vector.load %arg5[%get3A_41, %get3A_42] : memref<1x64xf32, #tpu.memory_space<vmem>>, vector<1x64xf32>
    %dot_general3A_44 = arith.constant dense<0.000000e+00> : vector<1000x1xf32>
    %dot_general3A_45 = tpu.matmul %convert_element_type3A_40, %get3A_43, %dot_general3A_44 {dimension_numbers = #tpu.dot_dimension_numbers<[1], [1], [0], [0], [0, 0, 1, 0], [], []>, precision = #tpu.contract_precision<fp32>, transpose_lhs_hint = false} : vector<1000x64xf32>, vector<1x64xf32>, vector<1000x1xf32> -> vector<1000x1xf32>
    %mul3A_46 = vector.broadcast %dot_general3A_45 : vector<1000x1xf32> to vector<1000x128xf32>
    %mul3A_47 = arith.mulf %mul3A_46, %select_n3A : vector<1000x128xf32>
    %sub3A = arith.constant 1.000000e+00 : f32
    %sub3A_48 = vector.broadcast %sub3A : f32 to vector<1000x1xf32>
    %sub3A_49 = arith.subf %sub3A_48, %dot_general3A_45 : vector<1000x1xf32>
    %mul3A_50 = vector.broadcast %sub3A_49 : vector<1000x1xf32> to vector<1000x128xf32>
    %mul3A_51 = arith.mulf %mul3A_50, %get3A_1 : vector<1000x128xf32>
    %add3A_52 = arith.addf %mul3A_47, %mul3A_51 : vector<1000x128xf32>
    %dot_general3A_53 = arith.constant dense<0.000000e+00> : vector<64x128xf32>
    %dot_general3A_54 = tpu.matmul %convert_element_type3A_40, %add3A_52, %dot_general3A_53 {dimension_numbers = #tpu.dot_dimension_numbers<[0], [0], [1], [1], [0, 1, 1, 1], [], []>, precision = #tpu.contract_precision<fp32>, transpose_lhs_hint = false} : vector<1000x64xf32>, vector<1000x128xf32>, vector<64x128xf32> -> vector<64x128xf32>
    %broadcast_in_dim3A = arith.constant 1.000000e+00 : f32
    %broadcast_in_dim3A_55 = vector.broadcast %broadcast_in_dim3A : f32 to vector<1000x128xf32>
    %dot_general3A_56 = arith.constant dense<0.000000e+00> : vector<64x128xf32>
    %dot_general3A_57 = tpu.matmul %convert_element_type3A_40, %broadcast_in_dim3A_55, %dot_general3A_56 {dimension_numbers = #tpu.dot_dimension_numbers<[0], [0], [1], [1], [0, 1, 1, 1], [], []>, precision = #tpu.contract_precision<fp32>, transpose_lhs_hint = false} : vector<1000x64xf32>, vector<1000x128xf32>, vector<64x128xf32> -> vector<64x128xf32>
    %eq3A_58 = arith.constant 0 : i32
    %eq3A_59 = arith.cmpi eq, %arg0, %eq3A_58 : i32
    %convert_element_type3A_60 = arith.extui %eq3A_59 : i1 to i32
    %cond3A = arith.constant 0 : i32
    %cond3A_61 = arith.cmpi ne, %convert_element_type3A_60, %cond3A : i32
    scf.if %cond3A_61 {
      %broadcast_in_dim3A_80 = arith.constant 0.000000e+00 : f32
      %broadcast_in_dim3A_81 = vector.broadcast %broadcast_in_dim3A_80 : f32 to vector<64x128xf32>
      %swap3A_82 = arith.constant 0 : index
      %swap3A_83 = arith.constant 0 : index
      %swap3A_84 = vector.load %arg16[%swap3A_82, %swap3A_83] : memref<64x128xf32, #tpu.memory_space<vmem>>, vector<64x128xf32>
      tpu.vector_store %arg16[%swap3A_82, %swap3A_83], %broadcast_in_dim3A_81 {strides = array<i32>} : memref<64x128xf32, #tpu.memory_space<vmem>>, vector<64x128xf32>,
      %broadcast_in_dim3A_85 = arith.constant 0.000000e+00 : f32
      %broadcast_in_dim3A_86 = vector.broadcast %broadcast_in_dim3A_85 : f32 to vector<64x128xf32>
      %swap3A_87 = arith.constant 0 : index
      %swap3A_88 = arith.constant 0 : index
      %swap3A_89 = vector.load %arg17[%swap3A_87, %swap3A_88] : memref<64x128xf32, #tpu.memory_space<vmem>>, vector<64x128xf32>
      tpu.vector_store %arg17[%swap3A_87, %swap3A_88], %broadcast_in_dim3A_86 {strides = array<i32>} : memref<64x128xf32, #tpu.memory_space<vmem>>, vector<64x128xf32>,
    } else {
    }
    %get3A_62 = arith.constant 0 : index
    %get3A_63 = arith.constant 0 : index
    %get3A_64 = vector.load %arg16[%get3A_62, %get3A_63] : memref<64x128xf32, #tpu.memory_space<vmem>>, vector<64x128xf32>
    %add3A_65 = arith.addf %get3A_64, %dot_general3A_54 : vector<64x128xf32>
    %swap3A = arith.constant 0 : index
    %swap3A_66 = arith.constant 0 : index
    %swap3A_67 = vector.load %arg16[%swap3A, %swap3A_66] : memref<64x128xf32, #tpu.memory_space<vmem>>, vector<64x128xf32>
    tpu.vector_store %arg16[%swap3A, %swap3A_66], %add3A_65 {strides = array<i32>} : memref<64x128xf32, #tpu.memory_space<vmem>>, vector<64x128xf32>,
    %get3A_68 = arith.constant 0 : index
    %get3A_69 = arith.constant 0 : index
    %get3A_70 = vector.load %arg17[%get3A_68, %get3A_69] : memref<64x128xf32, #tpu.memory_space<vmem>>, vector<64x128xf32>
    %add3A_71 = arith.addf %get3A_70, %dot_general3A_57 : vector<64x128xf32>
    %swap3A_72 = arith.constant 0 : index
    %swap3A_73 = arith.constant 0 : index
    %swap3A_74 = vector.load %arg17[%swap3A_72, %swap3A_73] : memref<64x128xf32, #tpu.memory_space<vmem>>, vector<64x128xf32>
    tpu.vector_store %arg17[%swap3A_72, %swap3A_73], %add3A_71 {strides = array<i32>} : memref<64x128xf32, #tpu.memory_space<vmem>>, vector<64x128xf32>,
    %eq3A_75 = arith.constant 9 : i32
    %eq3A_76 = arith.cmpi eq, %arg0, %eq3A_75 : i32
    %convert_element_type3A_77 = arith.extui %eq3A_76 : i1 to i32
    %cond3A_78 = arith.constant 0 : i32
    %cond3A_79 = arith.cmpi ne, %convert_element_type3A_77, %cond3A_78 : i32
    scf.if %cond3A_79 {
      %get3A_80 = arith.constant 0 : index
      %get3A_81 = arith.constant 0 : index
      %get3A_82 = vector.load %arg16[%get3A_80, %get3A_81] : memref<64x128xf32, #tpu.memory_space<vmem>>, vector<64x128xf32>
      %get3A_83 = arith.constant 0 : index
      %get3A_84 = arith.constant 0 : index
      %get3A_85 = vector.load %arg17[%get3A_83, %get3A_84] : memref<64x128xf32, #tpu.memory_space<vmem>>, vector<64x128xf32>
      %max3A = arith.constant 1.000000e+00 : f32
      %max3A_86 = vector.broadcast %max3A : f32 to vector<64x128xf32>
      %max3A_87 = arith.maximumf %get3A_85, %max3A_86 : vector<64x128xf32>
      %div3A = arith.divf %get3A_82, %max3A_87 : vector<64x128xf32>
      %get3A_88 = arith.constant 0 : index
      %get3A_89 = arith.constant 0 : index
      %get3A_90 = vector.load %arg9[%get3A_88, %get3A_89] : memref<16x128xf32, #tpu.memory_space<vmem>>, vector<16x128xf32>
      %dot_general3A_91 = arith.constant dense<0.000000e+00> : vector<64x16xf32>
      %dot_general3A_92 = tpu.matmul %div3A, %get3A_90, %dot_general3A_91 {dimension_numbers = #tpu.dot_dimension_numbers<[1], [1], [0], [0], [0, 0, 1, 0], [], []>, transpose_lhs_hint = false} : vector<64x128xf32>, vector<16x128xf32>, vector<64x16xf32> -> vector<64x16xf32>
      %get3A_93 = arith.constant 0 : index
      %get3A_94 = arith.constant 0 : index
      %get3A_95 = vector.load %arg10[%get3A_93, %get3A_94] : memref<1x16xf32, #tpu.memory_space<vmem>>, vector<1x16xf32>
      %add3A_96 = vector.broadcast %get3A_95 : vector<1x16xf32> to vector<64x16xf32>
      %add3A_97 = arith.addf %dot_general3A_92, %add3A_96 : vector<64x16xf32>
      %mul3A_98 = arith.constant 0.999994993 : f32
      %mul3A_99 = vector.broadcast %mul3A_98 : f32 to vector<64x16xf32>
      %mul3A_100 = arith.mulf %add3A_97, %mul3A_99 : vector<64x16xf32>
      %get3A_101 = arith.constant 0 : index
      %get3A_102 = arith.constant 0 : index
      %get3A_103 = vector.load %arg11[%get3A_101, %get3A_102] : memref<1x16xf32, #tpu.memory_space<vmem>>, vector<1x16xf32>
      %mul3A_104 = vector.broadcast %get3A_103 : vector<1x16xf32> to vector<64x16xf32>
      %mul3A_105 = arith.mulf %mul3A_100, %mul3A_104 : vector<64x16xf32>
      %get3A_106 = arith.constant 0 : index
      %get3A_107 = arith.constant 0 : index
      %get3A_108 = vector.load %arg12[%get3A_106, %get3A_107] : memref<1x16xf32, #tpu.memory_space<vmem>>, vector<1x16xf32>
      %add3A_109 = vector.broadcast %get3A_108 : vector<1x16xf32> to vector<64x16xf32>
      %add3A_110 = arith.addf %mul3A_105, %add3A_109 : vector<64x16xf32>
      %gt3A_111 = arith.constant 0.000000e+00 : f32
      %gt3A_112 = vector.broadcast %gt3A_111 : f32 to vector<64x16xf32>
      %gt3A_113 = arith.cmpf ogt, %add3A_110, %gt3A_112 : vector<64x16xf32>
      %mul3A_114 = arith.constant 2.000000e-01 : f32
      %mul3A_115 = vector.broadcast %mul3A_114 : f32 to vector<64x16xf32>
      %mul3A_116 = arith.mulf %mul3A_115, %add3A_110 : vector<64x16xf32>
      %select_n3A_117 = arith.select %gt3A_113, %add3A_110, %mul3A_116 : vector<64x16xi1>, vector<64x16xf32>
      %get3A_118 = arith.constant 0 : index
      %get3A_119 = arith.constant 0 : index
      %get3A_120 = vector.load %arg13[%get3A_118, %get3A_119] : memref<2x16xf32, #tpu.memory_space<vmem>>, vector<2x16xf32>
      %dot_general3A_121 = arith.constant dense<0.000000e+00> : vector<64x2xf32>
      %dot_general3A_122 = tpu.matmul %select_n3A_117, %get3A_120, %dot_general3A_121 {dimension_numbers = #tpu.dot_dimension_numbers<[1], [1], [0], [0], [0, 0, 1, 0], [], []>, transpose_lhs_hint = false} : vector<64x16xf32>, vector<2x16xf32>, vector<64x2xf32> -> vector<64x2xf32>
      %get3A_123 = arith.constant 0 : index
      %get3A_124 = arith.constant 0 : index
      %get3A_125 = vector.load %arg14[%get3A_123, %get3A_124] : memref<1x2xf32, #tpu.memory_space<vmem>>, vector<1x2xf32>
      %add3A_126 = vector.broadcast %get3A_125 : vector<1x2xf32> to vector<64x2xf32>
      %add3A_127 = arith.addf %dot_general3A_122, %add3A_126 : vector<64x2xf32>
      %swap3A_128 = arith.constant 0 : index
      %swap3A_129 = arith.constant 0 : index
      %swap3A_130 = vector.load %arg15[%swap3A_128, %swap3A_129] : memref<64x2xf32, #tpu.memory_space<vmem>>, vector<64x2xf32>
      tpu.vector_store %arg15[%swap3A_128, %swap3A_129], %add3A_127 {strides = array<i32>} : memref<64x2xf32, #tpu.memory_space<vmem>>, vector<64x2xf32>,
    } else {
    }
    return
  }
  func.func @transform_0(%arg0: i32) -> (i32, i32) {
    %c0_i32 = arith.constant 0 : i32
    %c0_i32_0 = arith.constant 0 : i32
    return %arg0, %c0_i32 : i32, i32
  }
  func.func @transform_1(%arg0: i32) -> (i32, i32, i32) {
    %c0_i32 = arith.constant 0 : i32
    %c0_i32_0 = arith.constant 0 : i32
    %c0_i32_1 = arith.constant 0 : i32
    return %c0_i32, %arg0, %c0_i32_0 : i32, i32, i32
  }
  func.func @transform_2(%arg0: i32) -> (i32, i32) {
    %c0_i32 = arith.constant 0 : i32
    %c0_i32_0 = arith.constant 0 : i32
    return %arg0, %c0_i32 : i32, i32
  }
  func.func @transform_3(%arg0: i32) -> (i32, i32) {
    %c0_i32 = arith.constant 0 : i32
    %c0_i32_0 = arith.constant 0 : i32
    return %arg0, %c0_i32 : i32, i32
  }
  func.func @transform_4(%arg0: i32) -> (i32, i32) {
    %c0_i32 = arith.constant 0 : i32
    %c0_i32_0 = arith.constant 0 : i32
    %c0_i32_1 = arith.constant 0 : i32
    return %c0_i32, %c0_i32_0 : i32, i32
  }
  func.func @transform_5(%arg0: i32) -> (i32, i32) {
    %c0_i32 = arith.constant 0 : i32
    %c0_i32_0 = arith.constant 0 : i32
    %c0_i32_1 = arith.constant 0 : i32
    return %c0_i32, %c0_i32_0 : i32, i32
  }
  func.func @transform_6(%arg0: i32) -> (i32, i32) {
    %c0_i32 = arith.constant 0 : i32
    %c0_i32_0 = arith.constant 0 : i32
    %c0_i32_1 = arith.constant 0 : i32
    return %c0_i32, %c0_i32_0 : i32, i32
  }
  func.func @transform_7(%arg0: i32) -> (i32, i32) {
    %c0_i32 = arith.constant 0 : i32
    %c0_i32_0 = arith.constant 0 : i32
    %c0_i32_1 = arith.constant 0 : i32
    return %c0_i32, %c0_i32_0 : i32, i32
  }
  func.func @transform_8(%arg0: i32) -> (i32, i32) {
    %c0_i32 = arith.constant 0 : i32
    %c0_i32_0 = arith.constant 0 : i32
    %c0_i32_1 = arith.constant 0 : i32
    return %c0_i32, %c0_i32_0 : i32, i32
  }
  func.func @transform_9(%arg0: i32) -> (i32, i32) {
    %c0_i32 = arith.constant 0 : i32
    %c0_i32_0 = arith.constant 0 : i32
    %c0_i32_1 = arith.constant 0 : i32
    return %c0_i32, %c0_i32_0 : i32, i32
  }
  func.func @transform_10(%arg0: i32) -> (i32, i32) {
    %c0_i32 = arith.constant 0 : i32
    %c0_i32_0 = arith.constant 0 : i32
    %c0_i32_1 = arith.constant 0 : i32
    return %c0_i32, %c0_i32_0 : i32, i32
  }
  func.func @transform_11(%arg0: i32) -> (i32, i32) {
    %c0_i32 = arith.constant 0 : i32
    %c0_i32_0 = arith.constant 0 : i32
    %c0_i32_1 = arith.constant 0 : i32
    return %c0_i32, %c0_i32_0 : i32, i32
  }
  func.func @transform_12(%arg0: i32) -> (i32, i32) {
    %c0_i32 = arith.constant 0 : i32
    %c0_i32_0 = arith.constant 0 : i32
    %c0_i32_1 = arith.constant 0 : i32
    return %c0_i32, %c0_i32_0 : i32, i32
  }
  func.func @transform_13(%arg0: i32) -> (i32, i32) {
    %c0_i32 = arith.constant 0 : i32
    %c0_i32_0 = arith.constant 0 : i32
    %c0_i32_1 = arith.constant 0 : i32
    return %c0_i32, %c0_i32_0 : i32, i32
  }
  func.func @transform_14(%arg0: i32) -> (i32, i32) {
    %c0_i32 = arith.constant 0 : i32
    %c0_i32_0 = arith.constant 0 : i32
    %c0_i32_1 = arith.constant 0 : i32
    return %c0_i32, %c0_i32_0 : i32, i32
  }
}

</mosaic_0001>

<sc_bundles>
// kernel: kernel.6.cloned.1.call-start
scs
__scs_entry_jumppad:
0x0: {  	(pc) =	sbr.rel $0x88, $3  }
0x1: {  	(tag) =	ssettag $0x0;
	lr =	simm.s32 $0x1  }
0x2: {  	[smem:$0x3F91] =	sst lr;
	_ =	strace $0xD0000000  }
0x3: {  	_ = 	snop  }
0x4: {  	_ = 	snop  }
0x5: {  	_ = 	snop  }
0x6: {  	_ = 	snop  }
0x7: {  	_ = 	snop  }
__scs_overlays_trampoline_lowered:
0x8: {  	[smem:$0x3FA0] =	sst s0  }
0x9: {  	[smem:$0x3FA1] =	sst s1  }
0xa: {  	[smem:$0x3FA2] =	sst s2  }
0xb: {  	[smem:$0x3FA3] =	sst s3  }
0xc: {  	[smem:$0x3FA4] =	sst s4  }
0xd: {  	[smem:$0x3FA5] =	sst s5  }
0xe: {  	[smem:$0x3FA6] =	sst s6  }
0xf: {  	[smem:$0x3FA7] =	sst s7  }
0x10: {  	[smem:$0x3FA8] =	sst s8  }
0x11: {  	[smem:$0x3FA9] =	sst s9;
	s0 =	simm.s32 @!p0 $0x0  }
0x12: {  	s1 =	sld [smem:$0x3F8F];
	s0 =	simm.s32 @p0 $0x1  }
0x13: {  	[smem:$0x3FAA] =	sst s0;
	s0 =	simm.s32 @!p1 $0x0  }
0x14: {  	s2 =	sld [smem:$0x3F8E];
	s0 =	simm.s32 @p1 $0x1  }
0x15: {  	[smem:$0x3FAB] =	sst s0;
	s0 =	simm.s32 @!p2 $0x0  }
0x16: {  	s3 =	sld [smem:$0x3FDB];
	s0 =	simm.s32 @p2 $0x1  }
0x17: {  	s4 =	simm.s32 $0x1BF5;
	[smem:$0x3FAD] =	sst s0  }
0x18: {  	s0 =	sld [smem:$0x3F90];
	_ =	swait.ge [sflag:s4], $0x0  }
0x19: {  	s7 =	sld [smem:$0x3F91]  }
0x1a: {  	s8 =	sadd.s32 $0xFFFFE003, lr  }
0x1b: {  	s9 =	sadd.s32 $0xFFFFFEF7, lr;
	s5 =	simm.s32 $0xFFFFFFFF;
	p2 =	slt.u32 s8, $0xFFFFF086  }
0x1c: {  	p1 =	slt.u32 s9, $0xF7A;
	s5 =	simm.s32 @!p2 $0x0  }
0x1d: {  	s5 =	simm.s32 @p1 $0x1;
	p0 =	seq.s32 s7, s2  }
0x1e: {  	s7 =	smul.u32 @!p0 $0xF7A, s2;
	p2 =	seq.s32 @!p0 s5, $0x0  }
0x1f: {  	s9 =	smul.u32 $0xF7A, s1;
	s8 =	simm.s32 @!p0 $0x1BF5;
	p2 =	por !p2, p0  }
0x20: {  	[sflag:s8] =	ssyncset.s32 @!p0 $0xFFFFF086;
	s6 =	sadd.s32 @!p0 s3, s7;
	s7 =	simm.s32 @!p0 $0x108  }
0x21: {  	s3 =	sadd.s32 s3, s9;
	s6 =	sadd.s32 @!p0 $0x88, s6;
	s7 =	simm.s32 @p2 $0x1082  }
0x22: {  	[simem:s7], [sflag:s8] =	dma.local @!p0 [hbm:s6], $0xF7A  }
0x23: {  	s9 =	sor.u32 $0xD0000000, s2;
	s6 =	simm.s32 $0x108;
	_ =	swait.ge @!p0 [sflag:s8], $0x0  }
0x24: {  	s3 =	sadd.s32 $0x88, s3;
	s6 =	simm.s32 @!p1 $0x1082;
	[sflag:s4] =	ssyncset.s32 $0xFFFFF086  }
0x25: {  	[simem:s6], [sflag:s4] =	dma.local [hbm:s3], $0xF7A  }
0x26: {  	[smem:$0x3F91] =	sst s1;
	(tag) =	ssettag s2;
	_ =	strace s9  }
0x27: {  	s1 =	sld [smem:$0x3FA1]  }
0x28: {  	s2 =	sld [smem:$0x3FA2]  }
0x29: {  	s4 =	sld [smem:$0x3FA4]  }
0x2a: {  	p0 =	seq.s32 s5, $0x0;
	s5 =	sld [smem:$0x3FA5]  }
0x2b: {  	s6 =	sld [smem:$0x3FA6]  }
0x2c: {  	s7 =	sld [smem:$0x3FA7]  }
0x2d: {  	s3 =	simm.s32 $0x108;
	s8 =	sld [smem:$0x3FA8]  }
0x2e: {  	s3 =	simm.s32 @!p0 $0x1082;
	s9 =	sld [smem:$0x3FA9]  }
0x2f: {  	lr =	sadd.s32 s0, s3;
	s0 =	sld [smem:$0x3FA0]  }
0x30: {  	s3 =	sld [smem:$0x3FA3]  }
0x31: {  	[smem:$0x3FAC] =	sst s10  }
0x32: {  	s10 =	sld [smem:$0x3FAA];
	_ =	sdelay $0x3  }
0x33: {  	p0 =	seq.s32 s10, $0x1;
	s10 =	sld [smem:$0x3FAC];
	_ =	sdelay $0x3  }
0x34: {  	[smem:$0x3FAC] =	sst s10  }
0x35: {  	s10 =	sld [smem:$0x3FAB];
	_ =	sdelay $0x3  }
0x36: {  	p1 =	seq.s32 s10, $0x1;
	s10 =	sld [smem:$0x3FAC];
	_ =	sdelay $0x3  }
0x37: {  	[smem:$0x3FAC] =	sst s10  }
0x38: {  	s10 =	sld [smem:$0x3FAD]  }
0x39: {  	_ = 	snop;
	(pc) =	sbr.ind lr, $3  }
0x3a: {  	_ = 	snop  }
0x3b: {  	_ = 	snop  }
0x3c: {  	p2 =	seq.s32 s10, $0x1;
	s10 =	sld [smem:$0x3FAC]  }
0x3d: {  	_ =	shalt  }
0x3e: {  	_ =	shalt  }
0x3f: {  	_ =	shalt  }
0x40: {  	_ =	shalt  }
0x41: {  	_ =	shalt  }
0x42: {  	_ =	shalt  }
0x43: {  	_ =	shalt  }
0x44: {  	_ =	shalt  }
0x45: {  	_ =	shalt  }
0x46: {  	_ =	shalt  }
0x47: {  	_ =	shalt  }
0x48: {  	_ =	shalt  }
0x49: {  	_ =	shalt  }
0x4a: {  	_ =	shalt  }
0x4b: {  	_ =	shalt  }
0x4c: {  	_ =	shalt  }
0x4d: {  	_ =	shalt  }
0x4e: {  	_ =	shalt  }
0x4f: {  	_ =	shalt  }
0x50: {  	_ =	shalt  }
0x51: {  	_ =	shalt  }
0x52: {  	_ =	shalt  }
0x53: {  	_ =	shalt  }
0x54: {  	_ =	shalt  }
0x55: {  	_ =	shalt  }
0x56: {  	_ =	shalt  }
0x57: {  	_ =	shalt  }
0x58: {  	_ =	shalt  }
0x59: {  	_ =	shalt  }
0x5a: {  	_ =	shalt  }
0x5b: {  	_ =	shalt  }
0x5c: {  	_ =	shalt  }
0x5d: {  	_ =	shalt  }
0x5e: {  	_ =	shalt  }
0x5f: {  	_ =	shalt  }
0x60: {  	_ =	shalt  }
0x61: {  	_ =	shalt  }
0x62: {  	_ =	shalt  }
0x63: {  	_ =	shalt  }
0x64: {  	_ =	shalt  }
0x65: {  	_ =	shalt  }
0x66: {  	_ =	shalt  }
0x67: {  	_ =	shalt  }
0x68: {  	_ =	shalt  }
0x69: {  	_ =	shalt  }
0x6a: {  	_ =	shalt  }
0x6b: {  	_ =	shalt  }
0x6c: {  	_ =	shalt  }
0x6d: {  	_ =	shalt  }
0x6e: {  	_ =	shalt  }
0x6f: {  	_ =	shalt  }
0x70: {  	_ =	shalt  }
0x71: {  	_ =	shalt  }
0x72: {  	_ =	shalt  }
0x73: {  	_ =	shalt  }
0x74: {  	_ =	shalt  }
0x75: {  	_ =	shalt  }
0x76: {  	_ =	shalt  }
0x77: {  	_ =	shalt  }
0x78: {  	_ =	shalt  }
0x79: {  	_ =	shalt  }
0x7a: {  	_ =	shalt  }
0x7b: {  	_ =	shalt  }
0x7c: {  	_ =	shalt  }
0x7d: {  	_ =	shalt  }
0x7e: {  	_ =	shalt  }
0x7f: {  	_ =	shalt  }
0x80: {  	_ =	shalt  }
0x81: {  	_ =	shalt  }
0x82: {  	_ =	shalt  }
0x83: {  	_ =	shalt  }
0x84: {  	_ =	shalt  }
0x85: {  	_ =	shalt  }
0x86: {  	_ =	shalt  }
0x87: {  	_ =	shalt  }
.Lfunc_end0:
.L_simem_size_0:
called_computation_lowered:
.L_overlay_start_0:
0x88: {  	s2 =	sld [smem:$0x3FD9]  }
0x89: {  	s3 =	sld [smem:$0x3FFE];
	_ =	sdelay $0x1  }
0x8a: {  	s1 =	srdreg.scid  }
0x8b: {  	s0 =	sand.u32 $0x1, s1  }
0x8c: {  	s16 =	sshll.u32 s0, $0xA;
	s2 =	sadd.s32 s3, s2  }
0x8d: {  	s2 =	sadd.s32 s2, s16  }
0x8e: {  	[smem:$0x3FB8] =	sst s2  }
0x8f: {  	_ = 	snop  }
0x90: {  	(tm) =	ssettm $0x1  }
0x91: {  	s17 =	sld [smem:$0x3FFB];
	_ =	sdelay $0x3  }
0x92: {  	_ =	strace s17  }
0x93: {  	s2 =	sld [smem:$0x3FFC];
	_ =	sdelay $0x3  }
0x94: {  	_ =	strace s2  }
0x95: {  	s2 =	sld [smem:$0x3FFD];
	_ =	sdelay $0x3  }
0x96: {  	_ =	strace s2  }
0x97: {  	_ =	strace $0x8FFFFFFF  }
0x98: {  	s18 =	sld [smem:$0x3FDB];
	_ =	sdelay $0x1  }
0x99: {  	s19 =	simm.s32 $_scs_section_size  }
0x9a: {  	s4 =	simm.s32 $_size__tile_overlayer_lowered;
	s5 =	simm.s32 $_tile_overlayer_lowered  }
0x9b: {  	s22 =	simm.s32 $0x1BFF;
	s21 =	sshll.u32 s5, $0x1;
	s2 =	sadd.s32 s19, s18  }
0x9c: {  	s6 =	simm.s32 $0x0;
	s20 =	sshll.u32 s4, $0x1;
	s4 =	sadd.s32 s21, s2  }
0x9d: {  	[timem:s6], [sflag:s22] =	dma.local [hbm:s4], s20  }
0x9e: {  	_ =	swait.ge [sflag:s22], s20  }
0x9f: {  	s3 =	ssub.s32 $0x0, s20;
	[sflag:s22] =	ssyncset.done $0x0  }
0xa0: {  	[sflag:s22] =	ssyncadd.s32 s3;
	_ =	sdelay $0x1  }
0xa1: {  	s23 =	simm.s32 $0x1B8B  }
0xa2: {  	_ =	swait.ge [sflag:s23], $0x1  }
0xa3: {  	[sflag:s23] =	ssyncset.done $0x0  }
0xa4: {  	s25 =	simm.s32 $0x1B8E;
	s24 =	sld [smem:$0x3FFE];
	[sflag:s23] =	ssyncadd.s32 $0xFFFFFFFF  }
0xa5: {  	s26 =	simm.s32 $execute0_lowered;
	[smem:$0x3FD2] =	sst s25  }
0xa6: {  	s4 =	sshll.u32 s26, $0x1;
	_ =	strace $0x80000046;
	[dreg:$0x1] =	wrdreg $0xFFFFFFFF  }
0xa7: {  	s28 =	simm.s32 $_size_execute0_lowered;
	s2 =	sadd.s32 s2, s4;
	[dreg:$0x0] =	wrdreg $0x0  }
0xa8: {  	s4 =	sshll.u32 s28, $0x1;
	[dreg:$0x2] =	wrdreg s2  }
0xa9: {  	[dreg:$0x3] =	wrdreg s4  }
0xaa: {  	[dreg:$0x4] =	wrdreg $0xC0  }
0xab: {  	_ =	task [dreg:s6], $0x5FFFF  }
0xac: {  	[dreg:$0x1] =	wrdreg $0xFFFFFFFF  }
0xad: {  	[dreg:$0x0] =	wrdreg $0x60  }
0xae: {  	[dreg:$0x2] =	wrdreg s24  }
0xaf: {  	[dreg:$0x3] =	wrdreg $0x99F00  }
0xb0: {  	[dreg:$0x4] =	wrdreg $0x9  }
0xb1: {  	_ =	task.clear_ibuf [dreg:s6], $0x5FFFF;
	_ =	strace $0x90000046  }
0xb2: {  	s29 =	simm.s32 $0x9;
	_ =	strace $0x80000048  }
0xb3: {  	_ =	swait.ge [sflag:s29], $0x1  }
0xb4: {  	[sflag:s29] =	ssyncadd.s32 $0xFFFFFFFF  }
0xb5: {  	_ =	strace $0x90000048  }
0xb6: {  	_ =	sfence  }
0xb7: {  	s30 =	sld [smem:$0x0];
	_ =	sdelay $0x2  }
0xb8: {  	s31 =	sshll.u32 s1, $0xD;
	s1 =	sshrl.u32 s1, $0x2  }
0xb9: {  	s3 =	sand.u32 $0x4000, s31;
	s1 =	sadd.s32 s1, s30  }
0xba: {  	s0 =	sor.u32 s3, s0;
	s1 =	sshll.u32 s1, $0x11  }
0xbb: {  	s0 =	sor.u32 s1, s0  }
0xbc: {  	s0 =	sadd.s32 $0x8F2B, s0  }
0xbd: {  	[sflag:s0] =	ssyncadd.remote.s32 $0x1  }
0xbe: {  	_ =	sfence.sel $0xFFFF  }
0xbf: {  	[dreg:$0x0] =	wrdreg $0xFFFFFFFF;
	(pc) =	sbr.abs _section_cstart, $3  }
0xc0: {  	[dreg:$0x1] =	wrdreg $0xFFFFFFFF  }
0xc1: {  	_ =	task.clear_ibuf [dreg:s6], $0x2FFFF;
	_ =	strace $0x9FFFFFFF  }
0xc2: {  	(tm) =	ssettm $0x7FFFFFFF  }
0xc3: {  	_ =	shalt  }
tec
execute0_lowered:
.L_overlay_start_1:
0x0: {  	(tag) =	ssettag $0x1  }
0x1: {  	s0 =	srdreg.scid;
	s1 =	rddreg [dreg:$0x0]  }
0x2: {  	s13 =	stileid.u32;
	s2 =	rddreg [dreg:$0x1];
	s17 =	simm.s32 $0x7  }
0x3: {  	s18 =	simm.s32 $0xD0;
	s19 =	simm.s32 $0x68;
	s20 =	simm.s32 $0x1  }
0x4: {  	s21 =	simm.s32 $0x64;
	s22 =	simm.s32 $0x2970;
	s29 =	simm.s32 $0x5  }
0x5: {  	s30 =	simm.s32 $0x6;
	s31 =	simm.s32 $0x0;
	s0 =	sand.u32 $0x1, s0  }
0x6: {  	s5 =	smul.u32 $0x15F90, s13;
	s15 =	sadd.s32 $0xCE00, s1;
	s24 =	sshll.u32 s13, $0x6  }
0x7: {  	s3 =	sshll.u32 s0, $0x4;
	s6 =	smul.u32 $0x15F900, s0;
	s9 =	ssub.s32 $0x2, s0  }
0x8: {  	s0 =	smul.u32 $0x28A00, s0;
	s4 =	sor.u32 s13, s3;
	s3 =	simm.s32 $0x0  }
0x9: {  	s11 =	sshrl.u32 s5, $0x3;
	s12 =	sshrl.u32 s9, $0x1;
	s13 =	smul.u32 $0x28A0, s13  }
0xa: {  	s16 =	sadd.s32 s5, s2;
	s10 =	smul.u32 $0x28A0, s4;
	[smem:$0x7FF] =	sst s3  }
0xb: {  	s4 =	sadd.s32 $0x17200, s1;
	s6 =	sadd.s32 s5, s6;
	s11 =	sadd.s32 s11, s1  }
0xc: {  	s12 =	ssub.s32 s9, s12;
	s16 =	sshrl.u32 s16, $0x3;
	_ =	strace $0x80000047  }
0xd: {  	s6 =	sshrl.u32 s6, $0x3;
	s23 =	sadd.s32 $0x43200, s11;
	s11 =	smax.u32 s12, $0x1  }
0xe: {  	s0 =	sadd.s32 s13, s0;
	s8 =	sshrl.u32 s10, $0x3;
	[dreg:$0x3] =	wrdreg s23  }
0xf: {  	s25 =	sadd.s32 $0x68, s10;
	s14 =	sadd.s32 $0x138, s10;
	s26 =	sadd.s32 $0x208, s0  }
0x10: {  	s0 =	sadd.s32 $0x1A0, s0;
	s23 =	simm.s32 $0x3;
	s7 =	sadd.s32 s8, s1  }
0x11: {  	s1 =	sadd.s32 s6, s1;
	s6 =	sor.u32 $0x1C07, s24;
	s9 =	sshrl.u32 s25, $0x3  }
.Ltmp0:
0x12: {  	s8 =	sadd.s32 s15, s8;
	s28 =	sshrl.u32 s14, $0x3;
	(pc) =	sbr.rel .LBB2_1-.Ltmp0, $4  }
0x13: {  	s0 =	sshrl.u32 s0, $0x3;
	s24 =	simm.s32 $0x2;
	s25 =	simm.s32 $0x61B0  }
0x14: {  	s7 =	sadd.s32 $0x2A00, s7;
	s9 =	sadd.s32 s15, s9;
	s10 =	sadd.s32 $0x6F200, s1  }
0x15: {  	s12 =	sadd.s32 $0x1A, s8;
	s1 =	sshrl.u32 s26, $0x3;
	s13 =	sadd.s32 s15, s28  }
0x16: {  	s26 =	simm.s32 $0x4;
	s14 =	sadd.s32 s1, s15;
	s15 =	sadd.s32 s0, s15  }
.LBB2_4:
0x17: {  	_ =	swait.ge [sflag:s29], $0x3840  }
0x18: {  	[sflag:s29] =	ssyncset.done $0x0  }
0x19: {  	[sflag:s29] =	ssyncadd.s32 $0xFFFFC7C0  }
0x1a: {  	_ =	swait.ge [sflag:s30], $0x3840  }
0x1b: {  	s31 =	sadd.s32 $0x1, s31;
	[sflag:s30] =	ssyncset.done $0x0  }
0x1c: {  	p0 =	sne.s32 s31, s11;
	[sflag:s30] =	ssyncadd.s32 $0xFFFFC7C0  }
.Ltmp1:
0x1d: {  	[bflag:$0x0] =	sbarrier.arrive $0xFFFF;
	(pc) =	sbr.rel @!p0 .LBB2_5-.Ltmp1, $4  }
0x1e: {  	[hbm:s10], [sflag:s6] =	dma.local [spmem:s16], $0x2BF2  }
0x1f: {  	_ =	swait.ge [sflag:s17], $0x2BF2  }
0x20: {  	[sflag:s17] =	ssyncset.done $0x0  }
0x21: {  	[sflag:s17] =	ssyncadd.s32 $0xFFFFD40E  }
.LBB2_1:
0x22: {  	s0 =	rddreg [dreg:$0x3]  }
0x23: {  	[spmem:s16], [sflag:s6] =	dma.local [hbm:s0], $0x2BF2  }
0x24: {  	_ =	swait.ge [sflag:s17], $0x2BF2  }
0x25: {  	[sflag:s17] =	ssyncset.done $0x0  }
0x26: {  	[sflag:s17] =	ssyncadd.s32 $0xFFFFD40E  }
0x27: {  	[tilespmem:s18], [sflag:$0x7] =	stream.linear.gather [hbm4b:s7+s3], $0x28A0, $0x38;
	[tilespmem:$0x1F980] =	vst v63  }
0x28: {  	_ =	swait.ge [sflag:s17], $0x28A0  }
0x29: {  	[sflag:s17] =	ssyncset.done $0x0  }
0x2a: {  	[sflag:s17] =	ssyncadd.s32 $0xFFFFD760  }
0x2b: {  	[tilespmem:s3], [sflag:$0x1] =	stream.linear.gather [hbm4b:s8+s3], $0x68, $0x38;
	[tilespmem:$0x1F980] =	vst v63  }
0x2c: {  	_ = 	snop  }
0x2d: {  	[tilespmem:s19], [sflag:$0x2] =	stream.linear.gather [hbm4b:s9+s3], $0x68, $0x38;
	[tilespmem:$0x1F980] =	vst v63  }
0x2e: {  	_ =	swait.ge [sflag:s20], $0x68  }
0x2f: {  	[sflag:s20] =	ssyncset.done $0x0  }
0x30: {  	[sflag:s20] =	ssyncadd.s32 $0xFFFFFF98  }
0x31: {  	[tilespmem:s22], [sflag:$0x3] =	stream.indirect.gather [hbm4b:s4+s21], $0x90, s3, s21, $0xb8;
	[tilespmem:$0x1F980] =	vst v63  }
0x32: {  	[bflag:$0x0] =	sbarrier.arrive $0xFFFF  }
0x33: {  	_ =	swait.ge [sflag:s23], $0x3840  }
0x34: {  	[sflag:s23] =	ssyncset.done $0x0  }
0x35: {  	[sflag:s23] =	ssyncadd.s32 $0xFFFFC7C0  }
0x36: {  	[spmem:s2] =	stream.indirect.scatter.add.f32 [tilespmem:s22], [sflag:$0x5], $0x90, s18, s21, $0xb8;
	[tilespmem:$0x1F980] =	vst v63  }
0x37: {  	_ = 	snop  }
0x38: {  	[tilespmem:s3], [sflag:$0x1] =	stream.linear.gather [hbm4b:s12+s3], $0x68, $0x38;
	[tilespmem:$0x1F980] =	vst v63  }
0x39: {  	_ =	swait.ge [sflag:s24], $0x68  }
0x3a: {  	[sflag:s24] =	ssyncset.done $0x0  }
0x3b: {  	[sflag:s24] =	ssyncadd.s32 $0xFFFFFF98  }
0x3c: {  	[tilespmem:s25], [sflag:$0x4] =	stream.indirect.gather [hbm4b:s4+s21], $0x90, s19, s21, $0xb8;
	[tilespmem:$0x1F980] =	vst v63  }
0x3d: {  	_ =	swait.ge [sflag:s26], $0x3840  }
0x3e: {  	[sflag:s26] =	ssyncset.done $0x0  }
0x3f: {  	s28 =	simm.s32 $0x138;
	[sflag:s26] =	ssyncadd.s32 $0xFFFFC7C0  }
0x40: {  	[spmem:s2] =	stream.indirect.scatter.add.f32 [tilespmem:s25], [sflag:$0x6], $0x90, s28, s21, $0xb8;
	[tilespmem:$0x1F980] =	vst v63  }
0x41: {  	_ = 	snop  }
0x42: {  	[tilespmem:s19], [sflag:$0x2] =	stream.linear.gather [hbm4b:s13+s3], $0x68, $0x38;
	[tilespmem:$0x1F980] =	vst v63  }
0x43: {  	_ =	swait.ge [sflag:s29], $0x3840  }
0x44: {  	[sflag:s29] =	ssyncset.done $0x0  }
0x45: {  	[sflag:s29] =	ssyncadd.s32 $0xFFFFC7C0  }
0x46: {  	_ =	swait.ge [sflag:s20], $0x68  }
0x47: {  	[sflag:s20] =	ssyncset.done $0x0  }
0x48: {  	s1 =	simm.s32 $0x208;
	s0 =	simm.s32 $0x0;
	[sflag:s20] =	ssyncadd.s32 $0xFFFFFF98  }
0x49: {  	[tilespmem:s22], [sflag:$0x3] =	stream.indirect.gather [hbm4b:s4+s21], $0x90, s3, s21, $0xb8;
	[tilespmem:$0x1F980] =	vst v63  }
.LBB2_2:
0x4a: {  	_ =	swait.ge [sflag:s23], $0x3840  }
0x4b: {  	[sflag:s23] =	ssyncset.done $0x0  }
0x4c: {  	s28 =	sadd.s32 $0xFFFFFF98, s1;
	p0 =	seq.s32 s0, $0x4E0;
	[sflag:s23] =	ssyncadd.s32 $0xFFFFC7C0  }
0x4d: {  	[spmem:s2] =	stream.indirect.scatter.add.f32 [tilespmem:s22], [sflag:$0x5], $0x90, s28, s21, $0xb8;
	[tilespmem:$0x1F980] =	vst v63  }
0x4e: {  	s5 =	simm.s32 @!p0 $0x0;
	s28 =	sadd.s32 @!p0 s0, s15  }
0x4f: {  	[tilespmem:s5], [sflag:$0x1] =	stream.linear.gather @!p0 [hbm4b:s28+s5], $0x68, $0x38;
	[tilespmem:$0x1F980] =	vst v63  }
0x50: {  	_ =	swait.ge [sflag:s30], $0x3840  }
0x51: {  	[sflag:s30] =	ssyncset.done $0x0  }
0x52: {  	[sflag:s30] =	ssyncadd.s32 $0xFFFFC7C0  }
0x53: {  	_ =	swait.ge [sflag:s24], $0x68  }
0x54: {  	[sflag:s24] =	ssyncset.done $0x0  }
0x55: {  	[sflag:s24] =	ssyncadd.s32 $0xFFFFFF98  }
0x56: {  	[tilespmem:s25], [sflag:$0x4] =	stream.indirect.gather [hbm4b:s4+s21], $0x90, s19, s21, $0xb8;
	[tilespmem:$0x1F980] =	vst v63  }
.Ltmp2:
0x57: {  	_ = 	snop;
	(pc) =	sbr.rel @p0 .LBB2_4-.Ltmp2, $4  }
0x58: {  	_ =	swait.ge [sflag:s26], $0x3840  }
0x59: {  	[sflag:s26] =	ssyncset.done $0x0  }
0x5a: {  	[sflag:s26] =	ssyncadd.s32 $0xFFFFC7C0  }
0x5b: {  	[spmem:s2] =	stream.indirect.scatter.add.f32 [tilespmem:s25], [sflag:$0x6], $0x90, s1, s21, $0xb8;
	[tilespmem:$0x1F980] =	vst v63  }
0x5c: {  	s5 =	sadd.s32 s0, s14  }
0x5d: {  	[tilespmem:s19], [sflag:$0x2] =	stream.linear.gather [hbm4b:s5+s3], $0x68, $0x38;
	[tilespmem:$0x1F980] =	vst v63  }
0x5e: {  	_ =	swait.ge [sflag:s29], $0x3840  }
0x5f: {  	[sflag:s29] =	ssyncset.done $0x0  }
.Ltmp3:
0x60: {  	[sflag:s29] =	ssyncadd.s32 $0xFFFFC7C0;
	(pc) =	sbr.rel .LBB2_2-.Ltmp3, $4  }
0x61: {  	_ =	swait.ge [sflag:s20], $0x68  }
0x62: {  	[sflag:s20] =	ssyncset.done $0x0  }
0x63: {  	s0 =	sadd.s32 $0x1A, s0;
	s1 =	sadd.s32 $0xD0, s1;
	[sflag:s20] =	ssyncadd.s32 $0xFFFFFF98  }
0x64: {  	[tilespmem:s22], [sflag:$0x3] =	stream.indirect.gather [hbm4b:s4+s21], $0x90, s3, s21, $0xb8;
	[tilespmem:$0x1F980] =	vst v63  }
.LBB2_5:
0x65: {  	_ =	sfence.sel $0x180000  }
0x66: {  	[bflag:$0x0] =	sbarrier.arrive $0xFFFF  }
0x67: {  	_ =	strace $0x90000047  }
0x68: {  	s0 =	stileid.u32;
	[bflag:$0x2] =	sbarrier.arrive $0xFFFF  }
0x69: {  	p0 =	sne.s32 s0, $0x0;
	s0 =	rddreg [dreg:$0x2]  }
0x6a: {  	s0 =	sadd.s32 @!p0 $0x100000, s0  }
0x6b: {  	[sflag:s0] =	ssyncadd.tile.s32 @!p0 $0x1;
	_ =	shalt  }
.Lfunc_end2:
_tile_overlayer_lowered:
.L_overlay_start_2:
0x6c: {  	(tag) =	ssettag $0x2  }
0x6d: {  	s0 =	rddreg [dreg:$0x0];
	s2 =	stileid.u32  }
0x6e: {  	s1 =	rddreg [dreg:$0x1];
	p0 =	sne.s32 s2, $0x0  }
0x6f: {  	s3 =	rddreg [dreg:$0x2];
	[bflag:$0x3] =	sbarrier.arrive $0xFFFF;
	s2 =	simm.s32 @!p0 $0x1C07  }
0x70: {  	[timem:s3], [sflag:s2] =	dma.local @!p0 [hbm:s0], s1  }
0x71: {  	s0 =	simm.s32 @!p0 $0x7  }
0x72: {  	_ =	swait.ge @!p0 [sflag:s0], s1  }
0x73: {  	s1 =	ssub.s32 @!p0 $0x0, s1;
	[sflag:s0] =	ssyncset.done @!p0 $0x0  }
0x74: {  	[sflag:s0] =	ssyncadd.s32 @!p0 s1  }
0x75: {  	[bflag:$0x3] =	sbarrier.arrive $0xFFFF  }
0x76: {  	_ =	shalt  }

// kernel: kernel.9.cloned.1.call-start
scs
__scs_entry_jumppad:
0x0: {  	(pc) =	sbr.rel $0x88, $3  }
0x1: {  	(tag) =	ssettag $0x0;
	lr =	simm.s32 $0x1  }
0x2: {  	[smem:$0x3F91] =	sst lr;
	_ =	strace $0xD0000000  }
0x3: {  	_ = 	snop  }
0x4: {  	_ = 	snop  }
0x5: {  	_ = 	snop  }
0x6: {  	_ = 	snop  }
0x7: {  	_ = 	snop  }
__scs_overlays_trampoline_lowered:
0x8: {  	[smem:$0x3FA0] =	sst s0  }
0x9: {  	[smem:$0x3FA1] =	sst s1  }
0xa: {  	[smem:$0x3FA2] =	sst s2  }
0xb: {  	[smem:$0x3FA3] =	sst s3  }
0xc: {  	[smem:$0x3FA4] =	sst s4  }
0xd: {  	[smem:$0x3FA5] =	sst s5  }
0xe: {  	[smem:$0x3FA6] =	sst s6  }
0xf: {  	[smem:$0x3FA7] =	sst s7  }
0x10: {  	[smem:$0x3FA8] =	sst s8  }
0x11: {  	[smem:$0x3FA9] =	sst s9;
	s0 =	simm.s32 @!p0 $0x0  }
0x12: {  	s1 =	sld [smem:$0x3F8F];
	s0 =	simm.s32 @p0 $0x1  }
0x13: {  	[smem:$0x3FAA] =	sst s0;
	s0 =	simm.s32 @!p1 $0x0  }
0x14: {  	s2 =	sld [smem:$0x3F8E];
	s0 =	simm.s32 @p1 $0x1  }
0x15: {  	[smem:$0x3FAB] =	sst s0;
	s0 =	simm.s32 @!p2 $0x0  }
0x16: {  	s3 =	sld [smem:$0x3FDB];
	s0 =	simm.s32 @p2 $0x1  }
0x17: {  	s4 =	simm.s32 $0x1BF5;
	[smem:$0x3FAD] =	sst s0  }
0x18: {  	s0 =	sld [smem:$0x3F90];
	_ =	swait.ge [sflag:s4], $0x0  }
0x19: {  	s7 =	sld [smem:$0x3F91]  }
0x1a: {  	s8 =	sadd.s32 $0xFFFFE003, lr  }
0x1b: {  	s9 =	sadd.s32 $0xFFFFFEF7, lr;
	s5 =	simm.s32 $0xFFFFFFFF;
	p2 =	slt.u32 s8, $0xFFFFF086  }
0x1c: {  	p1 =	slt.u32 s9, $0xF7A;
	s5 =	simm.s32 @!p2 $0x0  }
0x1d: {  	s5 =	simm.s32 @p1 $0x1;
	p0 =	seq.s32 s7, s2  }
0x1e: {  	s7 =	smul.u32 @!p0 $0xF7A, s2;
	p2 =	seq.s32 @!p0 s5, $0x0  }
0x1f: {  	s9 =	smul.u32 $0xF7A, s1;
	s8 =	simm.s32 @!p0 $0x1BF5;
	p2 =	por !p2, p0  }
0x20: {  	[sflag:s8] =	ssyncset.s32 @!p0 $0xFFFFF086;
	s6 =	sadd.s32 @!p0 s3, s7;
	s7 =	simm.s32 @!p0 $0x108  }
0x21: {  	s3 =	sadd.s32 s3, s9;
	s6 =	sadd.s32 @!p0 $0x88, s6;
	s7 =	simm.s32 @p2 $0x1082  }
0x22: {  	[simem:s7], [sflag:s8] =	dma.local @!p0 [hbm:s6], $0xF7A  }
0x23: {  	s9 =	sor.u32 $0xD0000000, s2;
	s6 =	simm.s32 $0x108;
	_ =	swait.ge @!p0 [sflag:s8], $0x0  }
0x24: {  	s3 =	sadd.s32 $0x88, s3;
	s6 =	simm.s32 @!p1 $0x1082;
	[sflag:s4] =	ssyncset.s32 $0xFFFFF086  }
0x25: {  	[simem:s6], [sflag:s4] =	dma.local [hbm:s3], $0xF7A  }
0x26: {  	[smem:$0x3F91] =	sst s1;
	(tag) =	ssettag s2;
	_ =	strace s9  }
0x27: {  	s1 =	sld [smem:$0x3FA1]  }
0x28: {  	s2 =	sld [smem:$0x3FA2]  }
0x29: {  	s4 =	sld [smem:$0x3FA4]  }
0x2a: {  	p0 =	seq.s32 s5, $0x0;
	s5 =	sld [smem:$0x3FA5]  }
0x2b: {  	s6 =	sld [smem:$0x3FA6]  }
0x2c: {  	s7 =	sld [smem:$0x3FA7]  }
0x2d: {  	s3 =	simm.s32 $0x108;
	s8 =	sld [smem:$0x3FA8]  }
0x2e: {  	s3 =	simm.s32 @!p0 $0x1082;
	s9 =	sld [smem:$0x3FA9]  }
0x2f: {  	lr =	sadd.s32 s0, s3;
	s0 =	sld [smem:$0x3FA0]  }
0x30: {  	s3 =	sld [smem:$0x3FA3]  }
0x31: {  	[smem:$0x3FAC] =	sst s10  }
0x32: {  	s10 =	sld [smem:$0x3FAA];
	_ =	sdelay $0x3  }
0x33: {  	p0 =	seq.s32 s10, $0x1;
	s10 =	sld [smem:$0x3FAC];
	_ =	sdelay $0x3  }
0x34: {  	[smem:$0x3FAC] =	sst s10  }
0x35: {  	s10 =	sld [smem:$0x3FAB];
	_ =	sdelay $0x3  }
0x36: {  	p1 =	seq.s32 s10, $0x1;
	s10 =	sld [smem:$0x3FAC];
	_ =	sdelay $0x3  }
0x37: {  	[smem:$0x3FAC] =	sst s10  }
0x38: {  	s10 =	sld [smem:$0x3FAD]  }
0x39: {  	_ = 	snop;
	(pc) =	sbr.ind lr, $3  }
0x3a: {  	_ = 	snop  }
0x3b: {  	_ = 	snop  }
0x3c: {  	p2 =	seq.s32 s10, $0x1;
	s10 =	sld [smem:$0x3FAC]  }
0x3d: {  	_ =	shalt  }
0x3e: {  	_ =	shalt  }
0x3f: {  	_ =	shalt  }
0x40: {  	_ =	shalt  }
0x41: {  	_ =	shalt  }
0x42: {  	_ =	shalt  }
0x43: {  	_ =	shalt  }
0x44: {  	_ =	shalt  }
0x45: {  	_ =	shalt  }
0x46: {  	_ =	shalt  }
0x47: {  	_ =	shalt  }
0x48: {  	_ =	shalt  }
0x49: {  	_ =	shalt  }
0x4a: {  	_ =	shalt  }
0x4b: {  	_ =	shalt  }
0x4c: {  	_ =	shalt  }
0x4d: {  	_ =	shalt  }
0x4e: {  	_ =	shalt  }
0x4f: {  	_ =	shalt  }
0x50: {  	_ =	shalt  }
0x51: {  	_ =	shalt  }
0x52: {  	_ =	shalt  }
0x53: {  	_ =	shalt  }
0x54: {  	_ =	shalt  }
0x55: {  	_ =	shalt  }
0x56: {  	_ =	shalt  }
0x57: {  	_ =	shalt  }
0x58: {  	_ =	shalt  }
0x59: {  	_ =	shalt  }
0x5a: {  	_ =	shalt  }
0x5b: {  	_ =	shalt  }
0x5c: {  	_ =	shalt  }
0x5d: {  	_ =	shalt  }
0x5e: {  	_ =	shalt  }
0x5f: {  	_ =	shalt  }
0x60: {  	_ =	shalt  }
0x61: {  	_ =	shalt  }
0x62: {  	_ =	shalt  }
0x63: {  	_ =	shalt  }
0x64: {  	_ =	shalt  }
0x65: {  	_ =	shalt  }
0x66: {  	_ =	shalt  }
0x67: {  	_ =	shalt  }
0x68: {  	_ =	shalt  }
0x69: {  	_ =	shalt  }
0x6a: {  	_ =	shalt  }
0x6b: {  	_ =	shalt  }
0x6c: {  	_ =	shalt  }
0x6d: {  	_ =	shalt  }
0x6e: {  	_ =	shalt  }
0x6f: {  	_ =	shalt  }
0x70: {  	_ =	shalt  }
0x71: {  	_ =	shalt  }
0x72: {  	_ =	shalt  }
0x73: {  	_ =	shalt  }
0x74: {  	_ =	shalt  }
0x75: {  	_ =	shalt  }
0x76: {  	_ =	shalt  }
0x77: {  	_ =	shalt  }
0x78: {  	_ =	shalt  }
0x79: {  	_ =	shalt  }
0x7a: {  	_ =	shalt  }
0x7b: {  	_ =	shalt  }
0x7c: {  	_ =	shalt  }
0x7d: {  	_ =	shalt  }
0x7e: {  	_ =	shalt  }
0x7f: {  	_ =	shalt  }
0x80: {  	_ =	shalt  }
0x81: {  	_ =	shalt  }
0x82: {  	_ =	shalt  }
0x83: {  	_ =	shalt  }
0x84: {  	_ =	shalt  }
0x85: {  	_ =	shalt  }
0x86: {  	_ =	shalt  }
0x87: {  	_ =	shalt  }
.Lfunc_end0:
.L_simem_size_0:
called_computation.1_lowered:
.L_overlay_start_0:
0x88: {  	s2 =	sld [smem:$0x3FD9]  }
0x89: {  	s3 =	sld [smem:$0x3FFE];
	_ =	sdelay $0x1  }
0x8a: {  	s1 =	srdreg.scid  }
0x8b: {  	s0 =	sand.u32 $0x1, s1  }
0x8c: {  	s16 =	sshll.u32 s0, $0xA;
	s2 =	sadd.s32 s3, s2  }
0x8d: {  	s2 =	sadd.s32 s2, s16  }
0x8e: {  	[smem:$0x3FB8] =	sst s2  }
0x8f: {  	_ = 	snop  }
0x90: {  	(tm) =	ssettm $0x1  }
0x91: {  	s17 =	sld [smem:$0x3FFB];
	_ =	sdelay $0x3  }
0x92: {  	_ =	strace s17  }
0x93: {  	s2 =	sld [smem:$0x3FFC];
	_ =	sdelay $0x3  }
0x94: {  	_ =	strace s2  }
0x95: {  	s2 =	sld [smem:$0x3FFD];
	_ =	sdelay $0x3  }
0x96: {  	_ =	strace s2  }
0x97: {  	_ =	strace $0x8FFFFFFF  }
0x98: {  	s18 =	sld [smem:$0x3FDB];
	_ =	sdelay $0x1  }
0x99: {  	s19 =	simm.s32 $_scs_section_size  }
0x9a: {  	s4 =	simm.s32 $_size__tile_overlayer_lowered;
	s5 =	simm.s32 $_tile_overlayer_lowered  }
0x9b: {  	s22 =	simm.s32 $0x1BFF;
	s21 =	sshll.u32 s5, $0x1;
	s2 =	sadd.s32 s19, s18  }
0x9c: {  	s6 =	simm.s32 $0x0;
	s20 =	sshll.u32 s4, $0x1;
	s4 =	sadd.s32 s21, s2  }
0x9d: {  	[timem:s6], [sflag:s22] =	dma.local [hbm:s4], s20  }
0x9e: {  	_ =	swait.ge [sflag:s22], s20  }
0x9f: {  	s3 =	ssub.s32 $0x0, s20;
	[sflag:s22] =	ssyncset.done $0x0  }
0xa0: {  	[sflag:s22] =	ssyncadd.s32 s3;
	_ =	sdelay $0x1  }
0xa1: {  	s23 =	simm.s32 $0x1B8B  }
0xa2: {  	_ =	swait.ge [sflag:s23], $0x1  }
0xa3: {  	[sflag:s23] =	ssyncset.done $0x0  }
0xa4: {  	s25 =	simm.s32 $0x1B8E;
	s24 =	sld [smem:$0x3FFE];
	[sflag:s23] =	ssyncadd.s32 $0xFFFFFFFF  }
0xa5: {  	s26 =	simm.s32 $execute0_lowered;
	[smem:$0x3FD2] =	sst s25  }
0xa6: {  	s4 =	sshll.u32 s26, $0x1;
	_ =	strace $0x80000049;
	[dreg:$0x1] =	wrdreg $0xFFFFFFFF  }
0xa7: {  	s28 =	simm.s32 $_size_execute0_lowered;
	s2 =	sadd.s32 s2, s4;
	[dreg:$0x0] =	wrdreg $0x0  }
0xa8: {  	s4 =	sshll.u32 s28, $0x1;
	[dreg:$0x2] =	wrdreg s2  }
0xa9: {  	[dreg:$0x3] =	wrdreg s4  }
0xaa: {  	[dreg:$0x4] =	wrdreg $0xC0  }
0xab: {  	_ =	task [dreg:s6], $0x5FFFF  }
0xac: {  	[dreg:$0x1] =	wrdreg $0xFFFFFFFF  }
0xad: {  	[dreg:$0x0] =	wrdreg $0x60  }
0xae: {  	[dreg:$0x2] =	wrdreg s24  }
0xaf: {  	[dreg:$0x3] =	wrdreg $0x8D700  }
0xb0: {  	[dreg:$0x4] =	wrdreg $0x9  }
0xb1: {  	_ =	task.clear_ibuf [dreg:s6], $0x5FFFF;
	_ =	strace $0x90000049  }
0xb2: {  	s29 =	simm.s32 $0x9;
	_ =	strace $0x8000004B  }
0xb3: {  	_ =	swait.ge [sflag:s29], $0x1  }
0xb4: {  	[sflag:s29] =	ssyncadd.s32 $0xFFFFFFFF  }
0xb5: {  	_ =	strace $0x9000004B  }
0xb6: {  	_ =	sfence  }
0xb7: {  	s30 =	sld [smem:$0x0];
	_ =	sdelay $0x2  }
0xb8: {  	s31 =	sshll.u32 s1, $0xD;
	s1 =	sshrl.u32 s1, $0x2  }
0xb9: {  	s3 =	sand.u32 $0x4000, s31;
	s1 =	sadd.s32 s1, s30  }
0xba: {  	s0 =	sor.u32 s3, s0;
	s1 =	sshll.u32 s1, $0x11  }
0xbb: {  	s0 =	sor.u32 s1, s0  }
0xbc: {  	s0 =	sadd.s32 $0x8F2B, s0  }
0xbd: {  	[sflag:s0] =	ssyncadd.remote.s32 $0x1  }
0xbe: {  	_ =	sfence.sel $0xFFFF  }
0xbf: {  	[dreg:$0x0] =	wrdreg $0xFFFFFFFF;
	(pc) =	sbr.abs _section_cstart, $3  }
0xc0: {  	[dreg:$0x1] =	wrdreg $0xFFFFFFFF  }
0xc1: {  	_ =	task.clear_ibuf [dreg:s6], $0x2FFFF;
	_ =	strace $0x9FFFFFFF  }
0xc2: {  	(tm) =	ssettm $0x7FFFFFFF  }
0xc3: {  	_ =	shalt  }
tec
execute0_lowered:
.L_overlay_start_1:
0x0: {  	(tag) =	ssettag $0x1  }
0x1: {  	s0 =	srdreg.scid;
	s1 =	rddreg [dreg:$0x0]  }
0x2: {  	s13 =	stileid.u32;
	s2 =	rddreg [dreg:$0x1];
	s17 =	simm.s32 $0x7  }
0x3: {  	s18 =	simm.s32 $0xD0;
	s19 =	simm.s32 $0x68;
	s20 =	simm.s32 $0x1  }
0x4: {  	s21 =	simm.s32 $0x64;
	s22 =	simm.s32 $0x2970;
	s29 =	simm.s32 $0x5  }
0x5: {  	s30 =	simm.s32 $0x6;
	s31 =	simm.s32 $0x0;
	s0 =	sand.u32 $0x1, s0  }
0x6: {  	s5 =	smul.u32 $0x13880, s13;
	s15 =	sadd.s32 $0xCE00, s1;
	s24 =	sshll.u32 s13, $0x6  }
0x7: {  	s3 =	sshll.u32 s0, $0x4;
	s6 =	smul.u32 $0x138800, s0;
	s9 =	ssub.s32 $0x2, s0  }
0x8: {  	s0 =	smul.u32 $0x28A00, s0;
	s4 =	sor.u32 s13, s3;
	s3 =	simm.s32 $0x0  }
0x9: {  	s11 =	sshrl.u32 s5, $0x3;
	s12 =	sshrl.u32 s9, $0x1;
	s13 =	smul.u32 $0x28A0, s13  }
0xa: {  	s16 =	sadd.s32 s5, s2;
	s10 =	smul.u32 $0x28A0, s4;
	[smem:$0x7FF] =	sst s3  }
0xb: {  	s4 =	sadd.s32 $0x17200, s1;
	s6 =	sadd.s32 s5, s6;
	s11 =	sadd.s32 s11, s1  }
0xc: {  	s12 =	ssub.s32 s9, s12;
	s16 =	sshrl.u32 s16, $0x3;
	_ =	strace $0x8000004A  }
0xd: {  	s6 =	sshrl.u32 s6, $0x3;
	s23 =	sadd.s32 $0x3E400, s11;
	s11 =	smax.u32 s12, $0x1  }
0xe: {  	s0 =	sadd.s32 s13, s0;
	s8 =	sshrl.u32 s10, $0x3;
	[dreg:$0x3] =	wrdreg s23  }
0xf: {  	s25 =	sadd.s32 $0x68, s10;
	s14 =	sadd.s32 $0x138, s10;
	s26 =	sadd.s32 $0x208, s0  }
0x10: {  	s0 =	sadd.s32 $0x1A0, s0;
	s23 =	simm.s32 $0x3;
	s7 =	sadd.s32 s8, s1  }
0x11: {  	s1 =	sadd.s32 s6, s1;
	s6 =	sor.u32 $0x1C07, s24;
	s9 =	sshrl.u32 s25, $0x3  }
.Ltmp0:
0x12: {  	s8 =	sadd.s32 s15, s8;
	s28 =	sshrl.u32 s14, $0x3;
	(pc) =	sbr.rel .LBB2_1-.Ltmp0, $4  }
0x13: {  	s0 =	sshrl.u32 s0, $0x3;
	s24 =	simm.s32 $0x2;
	s25 =	simm.s32 $0x5B70  }
0x14: {  	s7 =	sadd.s32 $0x2A00, s7;
	s9 =	sadd.s32 s15, s9;
	s10 =	sadd.s32 $0x65600, s1  }
0x15: {  	s12 =	sadd.s32 $0x1A, s8;
	s1 =	sshrl.u32 s26, $0x3;
	s13 =	sadd.s32 s15, s28  }
0x16: {  	s26 =	simm.s32 $0x4;
	s14 =	sadd.s32 s1, s15;
	s15 =	sadd.s32 s0, s15  }
.LBB2_4:
0x17: {  	_ =	swait.ge [sflag:s29], $0x3200  }
0x18: {  	[sflag:s29] =	ssyncset.done $0x0  }
0x19: {  	[sflag:s29] =	ssyncadd.s32 $0xFFFFCE00  }
0x1a: {  	_ =	swait.ge [sflag:s30], $0x3200  }
0x1b: {  	s31 =	sadd.s32 $0x1, s31;
	[sflag:s30] =	ssyncset.done $0x0  }
0x1c: {  	p0 =	sne.s32 s31, s11;
	[sflag:s30] =	ssyncadd.s32 $0xFFFFCE00  }
.Ltmp1:
0x1d: {  	[bflag:$0x0] =	sbarrier.arrive $0xFFFF;
	(pc) =	sbr.rel @!p0 .LBB2_5-.Ltmp1, $4  }
0x1e: {  	[hbm:s10], [sflag:s6] =	dma.local [spmem:s16], $0x2710  }
0x1f: {  	_ =	swait.ge [sflag:s17], $0x2710  }
0x20: {  	[sflag:s17] =	ssyncset.done $0x0  }
0x21: {  	[sflag:s17] =	ssyncadd.s32 $0xFFFFD8F0  }
.LBB2_1:
0x22: {  	s0 =	rddreg [dreg:$0x3]  }
0x23: {  	[spmem:s16], [sflag:s6] =	dma.local [hbm:s0], $0x2710  }
0x24: {  	_ =	swait.ge [sflag:s17], $0x2710  }
0x25: {  	[sflag:s17] =	ssyncset.done $0x0  }
0x26: {  	[sflag:s17] =	ssyncadd.s32 $0xFFFFD8F0  }
0x27: {  	[tilespmem:s18], [sflag:$0x7] =	stream.linear.gather [hbm4b:s7+s3], $0x28A0, $0x38;
	[tilespmem:$0x1C5F0] =	vst v63  }
0x28: {  	_ =	swait.ge [sflag:s17], $0x28A0  }
0x29: {  	[sflag:s17] =	ssyncset.done $0x0  }
0x2a: {  	[sflag:s17] =	ssyncadd.s32 $0xFFFFD760  }
0x2b: {  	[tilespmem:s3], [sflag:$0x1] =	stream.linear.gather [hbm4b:s8+s3], $0x68, $0x38;
	[tilespmem:$0x1C5F0] =	vst v63  }
0x2c: {  	_ = 	snop  }
0x2d: {  	[tilespmem:s19], [sflag:$0x2] =	stream.linear.gather [hbm4b:s9+s3], $0x68, $0x38;
	[tilespmem:$0x1C5F0] =	vst v63  }
0x2e: {  	_ =	swait.ge [sflag:s20], $0x68  }
0x2f: {  	[sflag:s20] =	ssyncset.done $0x0  }
0x30: {  	[sflag:s20] =	ssyncadd.s32 $0xFFFFFF98  }
0x31: {  	[tilespmem:s22], [sflag:$0x3] =	stream.indirect.gather [hbm4b:s4+s21], $0x80, s3, s21, $0xb8;
	[tilespmem:$0x1C5F0] =	vst v63  }
0x32: {  	[bflag:$0x0] =	sbarrier.arrive $0xFFFF  }
0x33: {  	_ =	swait.ge [sflag:s23], $0x3200  }
0x34: {  	[sflag:s23] =	ssyncset.done $0x0  }
0x35: {  	[sflag:s23] =	ssyncadd.s32 $0xFFFFCE00  }
0x36: {  	[spmem:s2] =	stream.indirect.scatter.add.f32 [tilespmem:s22], [sflag:$0x5], $0x80, s18, s21, $0xb8;
	[tilespmem:$0x1C5F0] =	vst v63  }
0x37: {  	_ = 	snop  }
0x38: {  	[tilespmem:s3], [sflag:$0x1] =	stream.linear.gather [hbm4b:s12+s3], $0x68, $0x38;
	[tilespmem:$0x1C5F0] =	vst v63  }
0x39: {  	_ =	swait.ge [sflag:s24], $0x68  }
0x3a: {  	[sflag:s24] =	ssyncset.done $0x0  }
0x3b: {  	[sflag:s24] =	ssyncadd.s32 $0xFFFFFF98  }
0x3c: {  	[tilespmem:s25], [sflag:$0x4] =	stream.indirect.gather [hbm4b:s4+s21], $0x80, s19, s21, $0xb8;
	[tilespmem:$0x1C5F0] =	vst v63  }
0x3d: {  	_ =	swait.ge [sflag:s26], $0x3200  }
0x3e: {  	[sflag:s26] =	ssyncset.done $0x0  }
0x3f: {  	s28 =	simm.s32 $0x138;
	[sflag:s26] =	ssyncadd.s32 $0xFFFFCE00  }
0x40: {  	[spmem:s2] =	stream.indirect.scatter.add.f32 [tilespmem:s25], [sflag:$0x6], $0x80, s28, s21, $0xb8;
	[tilespmem:$0x1C5F0] =	vst v63  }
0x41: {  	_ = 	snop  }
0x42: {  	[tilespmem:s19], [sflag:$0x2] =	stream.linear.gather [hbm4b:s13+s3], $0x68, $0x38;
	[tilespmem:$0x1C5F0] =	vst v63  }
0x43: {  	_ =	swait.ge [sflag:s29], $0x3200  }
0x44: {  	[sflag:s29] =	ssyncset.done $0x0  }
0x45: {  	[sflag:s29] =	ssyncadd.s32 $0xFFFFCE00  }
0x46: {  	_ =	swait.ge [sflag:s20], $0x68  }
0x47: {  	[sflag:s20] =	ssyncset.done $0x0  }
0x48: {  	s1 =	simm.s32 $0x208;
	s0 =	simm.s32 $0x0;
	[sflag:s20] =	ssyncadd.s32 $0xFFFFFF98  }
0x49: {  	[tilespmem:s22], [sflag:$0x3] =	stream.indirect.gather [hbm4b:s4+s21], $0x80, s3, s21, $0xb8;
	[tilespmem:$0x1C5F0] =	vst v63  }
.LBB2_2:
0x4a: {  	_ =	swait.ge [sflag:s23], $0x3200  }
0x4b: {  	[sflag:s23] =	ssyncset.done $0x0  }
0x4c: {  	s28 =	sadd.s32 $0xFFFFFF98, s1;
	p0 =	seq.s32 s0, $0x4E0;
	[sflag:s23] =	ssyncadd.s32 $0xFFFFCE00  }
0x4d: {  	[spmem:s2] =	stream.indirect.scatter.add.f32 [tilespmem:s22], [sflag:$0x5], $0x80, s28, s21, $0xb8;
	[tilespmem:$0x1C5F0] =	vst v63  }
0x4e: {  	s5 =	simm.s32 @!p0 $0x0;
	s28 =	sadd.s32 @!p0 s0, s15  }
0x4f: {  	[tilespmem:s5], [sflag:$0x1] =	stream.linear.gather @!p0 [hbm4b:s28+s5], $0x68, $0x38;
	[tilespmem:$0x1C5F0] =	vst v63  }
0x50: {  	_ =	swait.ge [sflag:s30], $0x3200  }
0x51: {  	[sflag:s30] =	ssyncset.done $0x0  }
0x52: {  	[sflag:s30] =	ssyncadd.s32 $0xFFFFCE00  }
0x53: {  	_ =	swait.ge [sflag:s24], $0x68  }
0x54: {  	[sflag:s24] =	ssyncset.done $0x0  }
0x55: {  	[sflag:s24] =	ssyncadd.s32 $0xFFFFFF98  }
0x56: {  	[tilespmem:s25], [sflag:$0x4] =	stream.indirect.gather [hbm4b:s4+s21], $0x80, s19, s21, $0xb8;
	[tilespmem:$0x1C5F0] =	vst v63  }
.Ltmp2:
0x57: {  	_ = 	snop;
	(pc) =	sbr.rel @p0 .LBB2_4-.Ltmp2, $4  }
0x58: {  	_ =	swait.ge [sflag:s26], $0x3200  }
0x59: {  	[sflag:s26] =	ssyncset.done $0x0  }
0x5a: {  	[sflag:s26] =	ssyncadd.s32 $0xFFFFCE00  }
0x5b: {  	[spmem:s2] =	stream.indirect.scatter.add.f32 [tilespmem:s25], [sflag:$0x6], $0x80, s1, s21, $0xb8;
	[tilespmem:$0x1C5F0] =	vst v63  }
0x5c: {  	s5 =	sadd.s32 s0, s14  }
0x5d: {  	[tilespmem:s19], [sflag:$0x2] =	stream.linear.gather [hbm4b:s5+s3], $0x68, $0x38;
	[tilespmem:$0x1C5F0] =	vst v63  }
0x5e: {  	_ =	swait.ge [sflag:s29], $0x3200  }
0x5f: {  	[sflag:s29] =	ssyncset.done $0x0  }
.Ltmp3:
0x60: {  	[sflag:s29] =	ssyncadd.s32 $0xFFFFCE00;
	(pc) =	sbr.rel .LBB2_2-.Ltmp3, $4  }
0x61: {  	_ =	swait.ge [sflag:s20], $0x68  }
0x62: {  	[sflag:s20] =	ssyncset.done $0x0  }
0x63: {  	s0 =	sadd.s32 $0x1A, s0;
	s1 =	sadd.s32 $0xD0, s1;
	[sflag:s20] =	ssyncadd.s32 $0xFFFFFF98  }
0x64: {  	[tilespmem:s22], [sflag:$0x3] =	stream.indirect.gather [hbm4b:s4+s21], $0x80, s3, s21, $0xb8;
	[tilespmem:$0x1C5F0] =	vst v63  }
.LBB2_5:
0x65: {  	_ =	sfence.sel $0x180000  }
0x66: {  	[bflag:$0x0] =	sbarrier.arrive $0xFFFF  }
0x67: {  	_ =	strace $0x9000004A  }
0x68: {  	s0 =	stileid.u32;
	[bflag:$0x2] =	sbarrier.arrive $0xFFFF  }
0x69: {  	p0 =	sne.s32 s0, $0x0;
	s0 =	rddreg [dreg:$0x2]  }
0x6a: {  	s0 =	sadd.s32 @!p0 $0x100000, s0  }
0x6b: {  	[sflag:s0] =	ssyncadd.tile.s32 @!p0 $0x1;
	_ =	shalt  }
.Lfunc_end2:
_tile_overlayer_lowered:
.L_overlay_start_2:
0x6c: {  	(tag) =	ssettag $0x2  }
0x6d: {  	s0 =	rddreg [dreg:$0x0];
	s2 =	stileid.u32  }
0x6e: {  	s1 =	rddreg [dreg:$0x1];
	p0 =	sne.s32 s2, $0x0  }
0x6f: {  	s3 =	rddreg [dreg:$0x2];
	[bflag:$0x3] =	sbarrier.arrive $0xFFFF;
	s2 =	simm.s32 @!p0 $0x1C07  }
0x70: {  	[timem:s3], [sflag:s2] =	dma.local @!p0 [hbm:s0], s1  }
0x71: {  	s0 =	simm.s32 @!p0 $0x7  }
0x72: {  	_ =	swait.ge @!p0 [sflag:s0], s1  }
0x73: {  	s1 =	ssub.s32 @!p0 $0x0, s1;
	[sflag:s0] =	ssyncset.done @!p0 $0x0  }
0x74: {  	[sflag:s0] =	ssyncadd.s32 @!p0 s1  }
0x75: {  	[bflag:$0x3] =	sbarrier.arrive $0xFFFF  }
0x76: {  	_ =	shalt  }

</sc_bundles>
